<compile_context>
chip_gen: v7x
topology: tpu7x:2x2x1
jax: 0.10.2.dev20260603
libtpu: 0.0.44.dev20260713+nightly
codegen_flags: <defaults>
</compile_context>

<pallas_src>
import functools

import jax
import jax.numpy as jnp
from jax import lax
from jax.experimental import pallas as pl
from jax.experimental.pallas import tpu as pltpu
from jax.experimental.pallas import tpu_sc as plsc

_SPARSE_RATIO = 0.5
_NC, _NS, _LANES = 2, 16, 16
_NW = _NC * _NS


def _wid():
    return lax.axis_index("s") * _NC + lax.axis_index("c")




def _select_body(K, score_hbm, idx_hbm, sbits_v, idxbuf_v):
    B, L = score_hbm.shape
    nv = L // _LANES
    w = _wid()

    @pl.when(w < B)
    def _():
        pltpu.sync_copy(score_hbm.at[w], sbits_v)
        lane = lax.iota(jnp.int32, _LANES)

        def count_ge(t):
            def body(i, acc):
                v = sbits_v[pl.ds(i * _LANES, _LANES)]
                return acc + jnp.where(v >= t, 1, 0)

            acc = lax.fori_loop(0, nv, body, jnp.zeros((_LANES,), jnp.int32),
                                unroll=8)
            return jnp.sum(acc)

        def mm(i, c):
            v = sbits_v[pl.ds(i * _LANES, _LANES)]
            return (jnp.minimum(c[0], v), jnp.maximum(c[1], v))

        mnv, mxv = lax.fori_loop(
            0, nv, mm,
            (jnp.full((_LANES,), jnp.int32(0x7F800000)),
             jnp.zeros((_LANES,), jnp.int32)), unroll=8)
        diff = jnp.min(mnv) ^ jnp.max(mxv)

        def hbstep(s, hb):
            return hb + jnp.where((diff >> s) > 0, 1, 0)

        hb = lax.fori_loop(0, 31, hbstep, jnp.int32(0))
        prefix0 = jnp.max(mxv) & ~((jnp.int32(1) << hb) - 1)

        def step(k, prefix):
            cand = prefix | (jnp.int32(1) << (hb - 1 - k))
            return jnp.where(count_ge(cand) >= K, cand, prefix)

        thr = lax.fori_loop(0, hb, step, prefix0)
        n_eq = K - count_ge(thr + 1)

        def emit(i, carry):
            off, eq_seen = carry
            v = sbits_v[pl.ds(i * _LANES, _LANES)]
            gt = v > thr
            eq = v == thr
            eqi = jnp.where(eq, 1, 0)
            excl = plsc.cumsum(eqi) - eqi
            keep = gt | (eq & ((eq_seen + excl) < n_eq))
            plsc.store_compressed(idxbuf_v.at[pl.ds(off, _LANES)],
                                  lane + i * _LANES, mask=keep)
            return (off + jnp.sum(jnp.where(keep, 1, 0)),
                    eq_seen + jnp.sum(eqi))

        lax.fori_loop(0, nv, emit, (jnp.int32(0), jnp.int32(0)), unroll=4)
        pltpu.sync_copy(idxbuf_v.at[pl.ds(0, K)], idx_hbm.at[w])


def _sc_select(score, K):
    B, L = score.shape
    mesh = plsc.VectorSubcoreMesh(core_axis_name="c", subcore_axis_name="s")
    return pl.kernel(
        functools.partial(_select_body, K),
        out_type=jax.ShapeDtypeStruct((B, K), jnp.int32),
        mesh=mesh,
        scratch_types=[
            pltpu.VMEM((L,), jnp.int32),
            pltpu.VMEM((K + _LANES,), jnp.int32),
        ],
        compiler_params=pltpu.CompilerParams(needs_layout_passes=False),
    )(score)



_CH = 16


def _gather_body(x_hbm, idx_hbm, out_hbm, idx_v, buf0, buf1, buf2,
                 g0, g1, g2, s0, s1, s2):
    B, L, C = x_hbm.shape
    K = idx_hbm.shape[1]
    per_b = _NW // B
    rows = K // per_b
    nch = rows // _CH
    w = _wid()
    b = w // per_b
    base = (w % per_b) * rows

    pltpu.sync_copy(idx_hbm.at[b, pl.ds(base, rows)], idx_v)

    bufs = (buf0, buf1, buf2)
    gsems = (g0, g1, g2)
    ssems = (s0, s1, s2)

    def gth(j, t):
        return pltpu.make_async_copy(
            x_hbm.at[b].at[idx_v.at[pl.ds(j * _CH, _CH)]], bufs[t], gsems[t])

    def sct(j, t):
        return pltpu.make_async_copy(
            bufs[t], out_hbm.at[b, pl.ds(base + j * _CH, _CH), :], ssems[t])

    gth(0, 0).start()
    gth(1, 1).start()
    gth(0, 0).wait()
    sct(0, 0).start()
    gth(2, 2).start()
    gth(1, 1).wait()
    sct(1, 1).start()
    sct(0, 0).wait()
    gth(3, 0).start()

    def three(k, _):
        j0 = 2 + k * 3
        for t_off in range(3):
            j = j0 + t_off
            t = (2 + t_off) % 3
            gth(j, t).wait()
            sct(j, t).start()
            sct(j - 1, (t + 2) % 3).wait()
            gth(j + 2, (t + 2) % 3).start()
        return ()

    lax.fori_loop(0, (nch - 5) // 3, three, ())
    for j in range(2 + 3 * ((nch - 5) // 3), nch - 3):
        gth(j, j % 3).wait()
        sct(j, j % 3).start()
        sct(j - 1, (j - 1) % 3).wait()
        gth(j + 2, (j + 2) % 3).start()
    j = nch - 3
    gth(j, j % 3).wait()
    sct(j, j % 3).start()
    sct(j - 1, (j - 1) % 3).wait()
    gth(j + 2, (j + 2) % 3).start()
    j = nch - 2
    gth(j, j % 3).wait()
    sct(j, j % 3).start()
    sct(j - 1, (j - 1) % 3).wait()
    j = nch - 1
    gth(j, j % 3).wait()
    sct(j, j % 3).start()
    sct(j - 1, (j - 1) % 3).wait()
    sct(j, j % 3).wait()


def _sc_gather(x, idx):
    B, L, C = x.shape
    K = idx.shape[1]
    rows = K // (_NW // B)
    mesh = plsc.VectorSubcoreMesh(core_axis_name="c", subcore_axis_name="s")
    return pl.kernel(
        _gather_body,
        out_type=jax.ShapeDtypeStruct((B, K, C), jnp.float32),
        mesh=mesh,
        scratch_types=[
            pltpu.VMEM((rows,), jnp.int32),
            pltpu.VMEM((_CH, C), jnp.float32),
            pltpu.VMEM((_CH, C), jnp.float32),
            pltpu.VMEM((_CH, C), jnp.float32),
            pltpu.SemaphoreType.DMA,
            pltpu.SemaphoreType.DMA,
            pltpu.SemaphoreType.DMA,
            pltpu.SemaphoreType.DMA,
            pltpu.SemaphoreType.DMA,
            pltpu.SemaphoreType.DMA,
        ],
    )(x, idx)


def kernel(x):
    B, L, C = x.shape
    K = max(1, int(L * (1.0 - _SPARSE_RATIO)))
    score = jnp.sqrt(jnp.sum(x * x, axis=-1))
    indices = _sc_select(lax.bitcast_convert_type(score, jnp.int32), K)
    x_sparse = _sc_gather(x, indices)
    return (x_sparse, indices)

# --- scband reference (transcript-rebuilt; emitter-appended) ---
"""Pipeline reference for scband-sparse-token-handler-59631325937850 (READ-ONLY COPY).

The authoritative reference and input builder live on the scoring server;
editing this copy changes nothing except your own understanding.
"""

import jax, jax.numpy as jnp
import numpy as np

SPARSE_RATIO = 0.5
RANDOM_RATIO = 0.0


def setup_inputs(seed: int = 0) -> dict:
    key = jax.random.key(seed)
    x = jax.random.normal(key, (4, 8192, 2048), dtype=jnp.float32)
    return {"x": x}


def reference(x):
    # Faithful translation of SparseTokenHandler.sparsify with random_ratio=0.0
    B, L, C = x.shape
    # importance_score is None -> score = x.norm(dim=-1)
    score = jnp.sqrt(jnp.sum(x * x, axis=-1))  # [B, L]
    keep_len = max(1, int(L * (1.0 - SPARSE_RATIO)))
    # random_ratio == 0 -> num_top = keep_len, num_random = 0
    num_top = keep_len
    _, top_indices = jax.lax.top_k(score, num_top)  # [B, num_top]
    indices = jnp.sort(top_indices, axis=1)  # [B, K]
    # x_sparse = x[batch_indices, indices]
    x_sparse = jnp.take_along_axis(x, indices[:, :, None], axis=1)  # [B, K, C]
    return (x_sparse, indices)

if __name__ == "__main__":
    import jax
    _d = setup_inputs()
    print(jax.jit(kernel)(*tuple(_d.values())))

</pallas_src>

<mosaic_0001>
#map = affine_map<(d0, d1) -> (0, 0)>
module attributes {stable_mosaic.version = 14 : i64} {
  func.func @_select_body(%arg0: i32, %arg1: i32, %arg2: memref<4x8192xi32, #tpu.memory_space<hbm>>, %arg3: memref<4x4096xi32, #tpu.memory_space<hbm>>, %arg4: memref<8192xi32, #tpu.memory_space<vmem>>, %arg5: memref<4112xi32, #tpu.memory_space<vmem>>) attributes {dimension_semantics = [#tpu.dimension_semantics<core_parallel>, #tpu.dimension_semantics<subcore_parallel>], iteration_bounds = array<i64: 2, 16>, scalar_prefetch = 0 : i64, scratch_operands = 2 : i64, tpu.core_type = #tpu.core_type<sc_vector_subcore>, window_params = [{transform_indices = #map}, {transform_indices = #map}]} {
    %mul3A = arith.constant 2 : i32
    %mul3A_0 = arith.muli %arg1, %mul3A : i32
    %add3A = arith.addi %mul3A_0, %arg0 : i32
    %lt3A = arith.constant 4 : i32
    %lt3A_1 = arith.cmpi slt, %add3A, %lt3A : i32
    %convert_element_type3A = arith.extui %lt3A_1 : i1 to i32
    %cond3A = arith.constant 0 : i32
    %cond3A_2 = arith.cmpi ne, %convert_element_type3A, %cond3A : i32
    scf.if %cond3A_2 {
      "tpu.region"() ({
        %run_scoped3A = tpu.sem_alloc : memref<!tpu.dma_semaphore, #tpu.memory_space<semaphore_mem>>
        %dma_start3A = arith.constant 0 : i32
        %dma_start3A_76 = tpu.memref_slice %arg2[%add3A, %dma_start3A] : memref<4x8192xi32, #tpu.memory_space<hbm>> -> memref<1x8192xi32, #tpu.memory_space<hbm>>
        %dma_start3A_77 = tpu.memref_squeeze %dma_start3A_76 : memref<1x8192xi32, #tpu.memory_space<hbm>> -> memref<8192xi32, #tpu.memory_space<hbm>>
        %dma_start3A_78 = arith.constant 0 : i32
        %dma_start3A_79 = tpu.memref_slice %arg2[%add3A, %dma_start3A_78] : memref<4x8192xi32, #tpu.memory_space<hbm>> -> memref<1x8192xi32, #tpu.memory_space<hbm>>
        %dma_start3A_80 = tpu.memref_squeeze %dma_start3A_79 : memref<1x8192xi32, #tpu.memory_space<hbm>> -> memref<8192xi32, #tpu.memory_space<hbm>>
        tpu.enqueue_dma source(%dma_start3A_80 : memref<8192xi32, #tpu.memory_space<hbm>>) target(%arg4 : memref<8192xi32, #tpu.memory_space<vmem>>) target_semaphore(%run_scoped3A : memref<!tpu.dma_semaphore, #tpu.memory_space<semaphore_mem>>)
        %dma_wait3A = arith.constant 0 : i32
        %dma_wait3A_81 = tpu.memref_slice %arg2[%add3A, %dma_wait3A] : memref<4x8192xi32, #tpu.memory_space<hbm>> -> memref<1x8192xi32, #tpu.memory_space<hbm>>
        %dma_wait3A_82 = tpu.memref_squeeze %dma_wait3A_81 : memref<1x8192xi32, #tpu.memory_space<hbm>> -> memref<8192xi32, #tpu.memory_space<hbm>>
        %dma_wait3A_83 = arith.constant 0 : i32
        %dma_wait3A_84 = tpu.memref_slice %arg2[%add3A, %dma_wait3A_83] : memref<4x8192xi32, #tpu.memory_space<hbm>> -> memref<1x8192xi32, #tpu.memory_space<hbm>>
        %dma_wait3A_85 = tpu.memref_squeeze %dma_wait3A_84 : memref<1x8192xi32, #tpu.memory_space<hbm>> -> memref<8192xi32, #tpu.memory_space<hbm>>
        tpu.wait_dma2 semaphore(%run_scoped3A : memref<!tpu.dma_semaphore, #tpu.memory_space<semaphore_mem>>) src(%dma_wait3A_85 : memref<8192xi32, #tpu.memory_space<hbm>>) dst(%arg4 : memref<8192xi32, #tpu.memory_space<vmem>>)
        tpu.yield
      }) : () -> ()
      %iota3A = tpu.iota {dimensions = array<i32: 0>} : vector<16xi32>
      %broadcast_in_dim3A = arith.constant 2139095040 : i32
      %broadcast_in_dim3A_3 = vector.broadcast %broadcast_in_dim3A : i32 to vector<16xi32>
      %broadcast_in_dim3A_4 = arith.constant 0 : i32
      %broadcast_in_dim3A_5 = vector.broadcast %broadcast_in_dim3A_4 : i32 to vector<16xi32>
      %scan3A = arith.constant 0 : i32
      %scan3A_6 = arith.constant 512 : i32
      %scan3A_7 = arith.addi %scan3A, %scan3A_6 : i32
      %scan3A_8 = arith.constant 8 : i32
      %scan3A_9:2 = scf.for %scan3A_76 = %scan3A to %scan3A_7 step %scan3A_8 iter_args(%scan3A_77 = %broadcast_in_dim3A_3, %scan3A_78 = %broadcast_in_dim3A_5) -> (vector<16xi32>, vector<16xi32>)  : i32 {
        %mul3A_79 = arith.constant 16 : i32
        %mul3A_80 = arith.muli %scan3A_76, %mul3A_79 : i32
        %get3A = arith.index_cast %mul3A_80 : i32 to index
        %get3A_81 = tpu.vector_load %arg4[%get3A] {strides = array<i32>} : memref<8192xi32, #tpu.memory_space<vmem>>, vector<16xi32>,
        %min3A = arith.minsi %scan3A_77, %get3A_81 : vector<16xi32>
        %max3A = arith.maxsi %scan3A_78, %get3A_81 : vector<16xi32>
        %scan3A_82 = arith.constant 1 : i32
        %scan3A_83 = arith.addi %scan3A_76, %scan3A_82 : i32
        %mul3A_84 = arith.constant 16 : i32
        %mul3A_85 = arith.muli %scan3A_83, %mul3A_84 : i32
        %get3A_86 = arith.index_cast %mul3A_85 : i32 to index
        %get3A_87 = tpu.vector_load %arg4[%get3A_86] {strides = array<i32>} : memref<8192xi32, #tpu.memory_space<vmem>>, vector<16xi32>,
        %min3A_88 = arith.minsi %min3A, %get3A_87 : vector<16xi32>
        %max3A_89 = arith.maxsi %max3A, %get3A_87 : vector<16xi32>
        %scan3A_90 = arith.constant 2 : i32
        %scan3A_91 = arith.addi %scan3A_76, %scan3A_90 : i32
        %mul3A_92 = arith.constant 16 : i32
        %mul3A_93 = arith.muli %scan3A_91, %mul3A_92 : i32
        %get3A_94 = arith.index_cast %mul3A_93 : i32 to index
        %get3A_95 = tpu.vector_load %arg4[%get3A_94] {strides = array<i32>} : memref<8192xi32, #tpu.memory_space<vmem>>, vector<16xi32>,
        %min3A_96 = arith.minsi %min3A_88, %get3A_95 : vector<16xi32>
        %max3A_97 = arith.maxsi %max3A_89, %get3A_95 : vector<16xi32>
        %scan3A_98 = arith.constant 3 : i32
        %scan3A_99 = arith.addi %scan3A_76, %scan3A_98 : i32
        %mul3A_100 = arith.constant 16 : i32
        %mul3A_101 = arith.muli %scan3A_99, %mul3A_100 : i32
        %get3A_102 = arith.index_cast %mul3A_101 : i32 to index
        %get3A_103 = tpu.vector_load %arg4[%get3A_102] {strides = array<i32>} : memref<8192xi32, #tpu.memory_space<vmem>>, vector<16xi32>,
        %min3A_104 = arith.minsi %min3A_96, %get3A_103 : vector<16xi32>
        %max3A_105 = arith.maxsi %max3A_97, %get3A_103 : vector<16xi32>
        %scan3A_106 = arith.constant 4 : i32
        %scan3A_107 = arith.addi %scan3A_76, %scan3A_106 : i32
        %mul3A_108 = arith.constant 16 : i32
        %mul3A_109 = arith.muli %scan3A_107, %mul3A_108 : i32
        %get3A_110 = arith.index_cast %mul3A_109 : i32 to index
        %get3A_111 = tpu.vector_load %arg4[%get3A_110] {strides = array<i32>} : memref<8192xi32, #tpu.memory_space<vmem>>, vector<16xi32>,
        %min3A_112 = arith.minsi %min3A_104, %get3A_111 : vector<16xi32>
        %max3A_113 = arith.maxsi %max3A_105, %get3A_111 : vector<16xi32>
        %scan3A_114 = arith.constant 5 : i32
        %scan3A_115 = arith.addi %scan3A_76, %scan3A_114 : i32
        %mul3A_116 = arith.constant 16 : i32
        %mul3A_117 = arith.muli %scan3A_115, %mul3A_116 : i32
        %get3A_118 = arith.index_cast %mul3A_117 : i32 to index
        %get3A_119 = tpu.vector_load %arg4[%get3A_118] {strides = array<i32>} : memref<8192xi32, #tpu.memory_space<vmem>>, vector<16xi32>,
        %min3A_120 = arith.minsi %min3A_112, %get3A_119 : vector<16xi32>
        %max3A_121 = arith.maxsi %max3A_113, %get3A_119 : vector<16xi32>
        %scan3A_122 = arith.constant 6 : i32
        %scan3A_123 = arith.addi %scan3A_76, %scan3A_122 : i32
        %mul3A_124 = arith.constant 16 : i32
        %mul3A_125 = arith.muli %scan3A_123, %mul3A_124 : i32
        %get3A_126 = arith.index_cast %mul3A_125 : i32 to index
        %get3A_127 = tpu.vector_load %arg4[%get3A_126] {strides = array<i32>} : memref<8192xi32, #tpu.memory_space<vmem>>, vector<16xi32>,
        %min3A_128 = arith.minsi %min3A_120, %get3A_127 : vector<16xi32>
        %max3A_129 = arith.maxsi %max3A_121, %get3A_127 : vector<16xi32>
        %scan3A_130 = arith.constant 7 : i32
        %scan3A_131 = arith.addi %scan3A_76, %scan3A_130 : i32
        %mul3A_132 = arith.constant 16 : i32
        %mul3A_133 = arith.muli %scan3A_131, %mul3A_132 : i32
        %get3A_134 = arith.index_cast %mul3A_133 : i32 to index
        %get3A_135 = tpu.vector_load %arg4[%get3A_134] {strides = array<i32>} : memref<8192xi32, #tpu.memory_space<vmem>>, vector<16xi32>,
        %min3A_136 = arith.minsi %min3A_128, %get3A_135 : vector<16xi32>
        %max3A_137 = arith.maxsi %max3A_129, %get3A_135 : vector<16xi32>
        scf.yield %min3A_136, %max3A_137 : vector<16xi32>, vector<16xi32>
      }
      %scan3A_10 = arith.constant 512 : i32
      %reduce_min3A = arith.constant true
      %reduce_min3A_11 = vector.broadcast %reduce_min3A : i1 to vector<16xi1>
      %reduce_min3A_12 = arith.constant -2147483648 : i32
      %reduce_min3A_13 = vector.broadcast %reduce_min3A_12 : i32 to vector<16xi32>
      %reduce_min3A_14 = arith.xori %scan3A_9#0, %reduce_min3A_13 : vector<16xi32>
      %reduce_min3A_15 = tpu.scan <min>, %reduce_min3A_14 masked %reduce_min3A_11 : vector<16xi32>, vector<16xi1> -> vector<16xi32>
      %reduce_min3A_16 = arith.xori %reduce_min3A_15, %reduce_min3A_13 : vector<16xi32>
      %reduce_min3A_17 = vector.extract %reduce_min3A_16[15] : i32 from vector<16xi32>
      %reduce_max3A = arith.constant true
      %reduce_max3A_18 = vector.broadcast %reduce_max3A : i1 to vector<16xi1>
      %reduce_max3A_19 = arith.constant -2147483648 : i32
      %reduce_max3A_20 = vector.broadcast %reduce_max3A_19 : i32 to vector<16xi32>
      %reduce_max3A_21 = arith.xori %scan3A_9#1, %reduce_max3A_20 : vector<16xi32>
      %reduce_max3A_22 = tpu.scan <max>, %reduce_max3A_21 masked %reduce_max3A_18 : vector<16xi32>, vector<16xi1> -> vector<16xi32>
      %reduce_max3A_23 = arith.xori %reduce_max3A_22, %reduce_max3A_20 : vector<16xi32>
      %reduce_max3A_24 = vector.extract %reduce_max3A_23[15] : i32 from vector<16xi32>
      %xor3A = arith.xori %reduce_min3A_17, %reduce_max3A_24 : i32
      %scan3A_25 = arith.constant 0 : i32
      %scan3A_26 = arith.constant 0 : i32
      %scan3A_27 = arith.constant 31 : i32
      %scan3A_28 = arith.addi %scan3A_26, %scan3A_27 : i32
      %scan3A_29 = arith.constant 1 : i32
      %scan3A_30 = scf.for %scan3A_76 = %scan3A_26 to %scan3A_28 step %scan3A_29 iter_args(%scan3A_77 = %scan3A_25) -> (i32)  : i32 {
        %shift_right_arithmetic3A = arith.shrsi %xor3A, %scan3A_76 : i32
        %gt3A = arith.constant 0 : i32
        %gt3A_78 = arith.cmpi sgt, %shift_right_arithmetic3A, %gt3A : i32
        %jit3A = arith.constant 1 : i32
        %jit3A_79 = arith.constant 0 : i32
        %select_n3A = arith.select %gt3A_78, %jit3A, %jit3A_79 : i32
        %add3A_80 = arith.addi %scan3A_77, %select_n3A : i32
        scf.yield %add3A_80 : i32
      }
      %scan3A_31 = arith.constant 31 : i32
      %reduce_max3A_32 = arith.constant true
      %reduce_max3A_33 = vector.broadcast %reduce_max3A_32 : i1 to vector<16xi1>
      %reduce_max3A_34 = arith.constant -2147483648 : i32
      %reduce_max3A_35 = vector.broadcast %reduce_max3A_34 : i32 to vector<16xi32>
      %reduce_max3A_36 = arith.xori %scan3A_9#1, %reduce_max3A_35 : vector<16xi32>
      %reduce_max3A_37 = tpu.scan <max>, %reduce_max3A_36 masked %reduce_max3A_33 : vector<16xi32>, vector<16xi1> -> vector<16xi32>
      %reduce_max3A_38 = arith.xori %reduce_max3A_37, %reduce_max3A_35 : vector<16xi32>
      %reduce_max3A_39 = vector.extract %reduce_max3A_38[15] : i32 from vector<16xi32>
      %shift_left3A = arith.constant 1 : i32
      %shift_left3A_40 = arith.shli %shift_left3A, %scan3A_30 : i32
      %sub3A = arith.constant 1 : i32
      %sub3A_41 = arith.subi %shift_left3A_40, %sub3A : i32
      %not3A = arith.constant -1 : i32
      %not3A_42 = arith.xori %sub3A_41, %not3A : i32
      %and3A = arith.andi %reduce_max3A_39, %not3A_42 : i32
      %while3A = arith.constant 0 : i32
      %while3A_43 = arith.subi %scan3A_30, %while3A : i32
      %while3A_44 = arith.addi %while3A, %while3A_43 : i32
      %while3A_45 = arith.constant 1 : i32
      %while3A_46 = arith.divsi %while3A_43, %while3A_45 : i32
      %while3A_47 = arith.muli %while3A_46, %while3A_45 : i32
      %while3A_48 = arith.addi %while3A, %while3A_47 : i32
      %while3A_49 = arith.constant 1 : i32
      %while3A_50 = scf.for %while3A_76 = %while3A to %while3A_48 step %while3A_49 iter_args(%while3A_77 = %and3A) -> (i32)  : i32 {
        %sub3A_78 = arith.constant 1 : i32
        %sub3A_79 = arith.subi %scan3A_30, %sub3A_78 : i32
        %sub3A_80 = arith.subi %sub3A_79, %while3A_76 : i32
        %shift_left3A_81 = arith.constant 1 : i32
        %shift_left3A_82 = arith.shli %shift_left3A_81, %sub3A_80 : i32
        %or3A = arith.ori %while3A_77, %shift_left3A_82 : i32
        %broadcast_in_dim3A_83 = arith.constant 0 : i32
        %broadcast_in_dim3A_84 = vector.broadcast %broadcast_in_dim3A_83 : i32 to vector<16xi32>
        %scan3A_85 = arith.constant 0 : i32
        %scan3A_86 = arith.constant 512 : i32
        %scan3A_87 = arith.addi %scan3A_85, %scan3A_86 : i32
        %scan3A_88 = arith.constant 8 : i32
        %scan3A_89 = scf.for %scan3A_96 = %scan3A_85 to %scan3A_87 step %scan3A_88 iter_args(%scan3A_97 = %broadcast_in_dim3A_84) -> (vector<16xi32>)  : i32 {
          %mul3A_98 = arith.constant 16 : i32
          %mul3A_99 = arith.muli %scan3A_96, %mul3A_98 : i32
          %get3A = arith.index_cast %mul3A_99 : i32 to index
          %get3A_100 = tpu.vector_load %arg4[%get3A] {strides = array<i32>} : memref<8192xi32, #tpu.memory_space<vmem>>, vector<16xi32>,
          %ge3A_101 = vector.broadcast %or3A : i32 to vector<16xi32>
          %ge3A_102 = arith.cmpi sge, %get3A_100, %ge3A_101 : vector<16xi32>
          %jit3A = arith.constant 1 : i32
          %jit3A_103 = arith.constant 0 : i32
          %broadcast_in_dim3A_104 = vector.broadcast %jit3A : i32 to vector<16xi32>
          %broadcast_in_dim3A_105 = vector.broadcast %jit3A_103 : i32 to vector<16xi32>
          %select_n3A_106 = arith.select %ge3A_102, %broadcast_in_dim3A_104, %broadcast_in_dim3A_105 : vector<16xi1>, vector<16xi32>
          %add3A_107 = arith.addi %scan3A_97, %select_n3A_106 : vector<16xi32>
          %scan3A_108 = arith.constant 1 : i32
          %scan3A_109 = arith.addi %scan3A_96, %scan3A_108 : i32
          %mul3A_110 = arith.constant 16 : i32
          %mul3A_111 = arith.muli %scan3A_109, %mul3A_110 : i32
          %get3A_112 = arith.index_cast %mul3A_111 : i32 to index
          %get3A_113 = tpu.vector_load %arg4[%get3A_112] {strides = array<i32>} : memref<8192xi32, #tpu.memory_space<vmem>>, vector<16xi32>,
          %ge3A_114 = vector.broadcast %or3A : i32 to vector<16xi32>
          %ge3A_115 = arith.cmpi sge, %get3A_113, %ge3A_114 : vector<16xi32>
          %jit3A_116 = arith.constant 1 : i32
          %jit3A_117 = arith.constant 0 : i32
          %broadcast_in_dim3A_118 = vector.broadcast %jit3A_116 : i32 to vector<16xi32>
          %broadcast_in_dim3A_119 = vector.broadcast %jit3A_117 : i32 to vector<16xi32>
          %select_n3A_120 = arith.select %ge3A_115, %broadcast_in_dim3A_118, %broadcast_in_dim3A_119 : vector<16xi1>, vector<16xi32>
          %add3A_121 = arith.addi %add3A_107, %select_n3A_120 : vector<16xi32>
          %scan3A_122 = arith.constant 2 : i32
          %scan3A_123 = arith.addi %scan3A_96, %scan3A_122 : i32
          %mul3A_124 = arith.constant 16 : i32
          %mul3A_125 = arith.muli %scan3A_123, %mul3A_124 : i32
          %get3A_126 = arith.index_cast %mul3A_125 : i32 to index
          %get3A_127 = tpu.vector_load %arg4[%get3A_126] {strides = array<i32>} : memref<8192xi32, #tpu.memory_space<vmem>>, vector<16xi32>,
          %ge3A_128 = vector.broadcast %or3A : i32 to vector<16xi32>
          %ge3A_129 = arith.cmpi sge, %get3A_127, %ge3A_128 : vector<16xi32>
          %jit3A_130 = arith.constant 1 : i32
          %jit3A_131 = arith.constant 0 : i32
          %broadcast_in_dim3A_132 = vector.broadcast %jit3A_130 : i32 to vector<16xi32>
          %broadcast_in_dim3A_133 = vector.broadcast %jit3A_131 : i32 to vector<16xi32>
          %select_n3A_134 = arith.select %ge3A_129, %broadcast_in_dim3A_132, %broadcast_in_dim3A_133 : vector<16xi1>, vector<16xi32>
          %add3A_135 = arith.addi %add3A_121, %select_n3A_134 : vector<16xi32>
          %scan3A_136 = arith.constant 3 : i32
          %scan3A_137 = arith.addi %scan3A_96, %scan3A_136 : i32
          %mul3A_138 = arith.constant 16 : i32
          %mul3A_139 = arith.muli %scan3A_137, %mul3A_138 : i32
          %get3A_140 = arith.index_cast %mul3A_139 : i32 to index
          %get3A_141 = tpu.vector_load %arg4[%get3A_140] {strides = array<i32>} : memref<8192xi32, #tpu.memory_space<vmem>>, vector<16xi32>,
          %ge3A_142 = vector.broadcast %or3A : i32 to vector<16xi32>
          %ge3A_143 = arith.cmpi sge, %get3A_141, %ge3A_142 : vector<16xi32>
          %jit3A_144 = arith.constant 1 : i32
          %jit3A_145 = arith.constant 0 : i32
          %broadcast_in_dim3A_146 = vector.broadcast %jit3A_144 : i32 to vector<16xi32>
          %broadcast_in_dim3A_147 = vector.broadcast %jit3A_145 : i32 to vector<16xi32>
          %select_n3A_148 = arith.select %ge3A_143, %broadcast_in_dim3A_146, %broadcast_in_dim3A_147 : vector<16xi1>, vector<16xi32>
          %add3A_149 = arith.addi %add3A_135, %select_n3A_148 : vector<16xi32>
          %scan3A_150 = arith.constant 4 : i32
          %scan3A_151 = arith.addi %scan3A_96, %scan3A_150 : i32
          %mul3A_152 = arith.constant 16 : i32
          %mul3A_153 = arith.muli %scan3A_151, %mul3A_152 : i32
          %get3A_154 = arith.index_cast %mul3A_153 : i32 to index
          %get3A_155 = tpu.vector_load %arg4[%get3A_154] {strides = array<i32>} : memref<8192xi32, #tpu.memory_space<vmem>>, vector<16xi32>,
          %ge3A_156 = vector.broadcast %or3A : i32 to vector<16xi32>
          %ge3A_157 = arith.cmpi sge, %get3A_155, %ge3A_156 : vector<16xi32>
          %jit3A_158 = arith.constant 1 : i32
          %jit3A_159 = arith.constant 0 : i32
          %broadcast_in_dim3A_160 = vector.broadcast %jit3A_158 : i32 to vector<16xi32>
          %broadcast_in_dim3A_161 = vector.broadcast %jit3A_159 : i32 to vector<16xi32>
          %select_n3A_162 = arith.select %ge3A_157, %broadcast_in_dim3A_160, %broadcast_in_dim3A_161 : vector<16xi1>, vector<16xi32>
          %add3A_163 = arith.addi %add3A_149, %select_n3A_162 : vector<16xi32>
          %scan3A_164 = arith.constant 5 : i32
          %scan3A_165 = arith.addi %scan3A_96, %scan3A_164 : i32
          %mul3A_166 = arith.constant 16 : i32
          %mul3A_167 = arith.muli %scan3A_165, %mul3A_166 : i32
          %get3A_168 = arith.index_cast %mul3A_167 : i32 to index
          %get3A_169 = tpu.vector_load %arg4[%get3A_168] {strides = array<i32>} : memref<8192xi32, #tpu.memory_space<vmem>>, vector<16xi32>,
          %ge3A_170 = vector.broadcast %or3A : i32 to vector<16xi32>
          %ge3A_171 = arith.cmpi sge, %get3A_169, %ge3A_170 : vector<16xi32>
          %jit3A_172 = arith.constant 1 : i32
          %jit3A_173 = arith.constant 0 : i32
          %broadcast_in_dim3A_174 = vector.broadcast %jit3A_172 : i32 to vector<16xi32>
          %broadcast_in_dim3A_175 = vector.broadcast %jit3A_173 : i32 to vector<16xi32>
          %select_n3A_176 = arith.select %ge3A_171, %broadcast_in_dim3A_174, %broadcast_in_dim3A_175 : vector<16xi1>, vector<16xi32>
          %add3A_177 = arith.addi %add3A_163, %select_n3A_176 : vector<16xi32>
          %scan3A_178 = arith.constant 6 : i32
          %scan3A_179 = arith.addi %scan3A_96, %scan3A_178 : i32
          %mul3A_180 = arith.constant 16 : i32
          %mul3A_181 = arith.muli %scan3A_179, %mul3A_180 : i32
          %get3A_182 = arith.index_cast %mul3A_181 : i32 to index
          %get3A_183 = tpu.vector_load %arg4[%get3A_182] {strides = array<i32>} : memref<8192xi32, #tpu.memory_space<vmem>>, vector<16xi32>,
          %ge3A_184 = vector.broadcast %or3A : i32 to vector<16xi32>
          %ge3A_185 = arith.cmpi sge, %get3A_183, %ge3A_184 : vector<16xi32>
          %jit3A_186 = arith.constant 1 : i32
          %jit3A_187 = arith.constant 0 : i32
          %broadcast_in_dim3A_188 = vector.broadcast %jit3A_186 : i32 to vector<16xi32>
          %broadcast_in_dim3A_189 = vector.broadcast %jit3A_187 : i32 to vector<16xi32>
          %select_n3A_190 = arith.select %ge3A_185, %broadcast_in_dim3A_188, %broadcast_in_dim3A_189 : vector<16xi1>, vector<16xi32>
          %add3A_191 = arith.addi %add3A_177, %select_n3A_190 : vector<16xi32>
          %scan3A_192 = arith.constant 7 : i32
          %scan3A_193 = arith.addi %scan3A_96, %scan3A_192 : i32
          %mul3A_194 = arith.constant 16 : i32
          %mul3A_195 = arith.muli %scan3A_193, %mul3A_194 : i32
          %get3A_196 = arith.index_cast %mul3A_195 : i32 to index
          %get3A_197 = tpu.vector_load %arg4[%get3A_196] {strides = array<i32>} : memref<8192xi32, #tpu.memory_space<vmem>>, vector<16xi32>,
          %ge3A_198 = vector.broadcast %or3A : i32 to vector<16xi32>
          %ge3A_199 = arith.cmpi sge, %get3A_197, %ge3A_198 : vector<16xi32>
          %jit3A_200 = arith.constant 1 : i32
          %jit3A_201 = arith.constant 0 : i32
          %broadcast_in_dim3A_202 = vector.broadcast %jit3A_200 : i32 to vector<16xi32>
          %broadcast_in_dim3A_203 = vector.broadcast %jit3A_201 : i32 to vector<16xi32>
          %select_n3A_204 = arith.select %ge3A_199, %broadcast_in_dim3A_202, %broadcast_in_dim3A_203 : vector<16xi1>, vector<16xi32>
          %add3A_205 = arith.addi %add3A_191, %select_n3A_204 : vector<16xi32>
          scf.yield %add3A_205 : vector<16xi32>
        }
        %scan3A_90 = arith.constant 512 : i32
        %reduce_sum3A_91 = arith.constant true
        %reduce_sum3A_92 = vector.broadcast %reduce_sum3A_91 : i1 to vector<16xi1>
        %reduce_sum3A_93 = tpu.scan <sum>, %scan3A_89 masked %reduce_sum3A_92 : vector<16xi32>, vector<16xi1> -> vector<16xi32>
        %reduce_sum3A_94 = vector.extract %reduce_sum3A_93[15] : i32 from vector<16xi32>
        %ge3A = arith.constant 4096 : i32
        %ge3A_95 = arith.cmpi sge, %reduce_sum3A_94, %ge3A : i32
        %select_n3A = arith.select %ge3A_95, %or3A, %while3A_77 : i32
        scf.yield %select_n3A : i32
      }
      %while3A_51 = arith.constant 1 : i32
      %while3A_52 = scf.for %while3A_76 = %while3A_48 to %while3A_44 step %while3A_51 iter_args(%while3A_77 = %while3A_50) -> (i32)  : i32 {
        %sub3A_78 = arith.constant 1 : i32
        %sub3A_79 = arith.subi %scan3A_30, %sub3A_78 : i32
        %sub3A_80 = arith.subi %sub3A_79, %while3A_76 : i32
        %shift_left3A_81 = arith.constant 1 : i32
        %shift_left3A_82 = arith.shli %shift_left3A_81, %sub3A_80 : i32
        %or3A = arith.ori %while3A_77, %shift_left3A_82 : i32
        %broadcast_in_dim3A_83 = arith.constant 0 : i32
        %broadcast_in_dim3A_84 = vector.broadcast %broadcast_in_dim3A_83 : i32 to vector<16xi32>
        %scan3A_85 = arith.constant 0 : i32
        %scan3A_86 = arith.constant 512 : i32
        %scan3A_87 = arith.addi %scan3A_85, %scan3A_86 : i32
        %scan3A_88 = arith.constant 8 : i32
        %scan3A_89 = scf.for %scan3A_96 = %scan3A_85 to %scan3A_87 step %scan3A_88 iter_args(%scan3A_97 = %broadcast_in_dim3A_84) -> (vector<16xi32>)  : i32 {
          %mul3A_98 = arith.constant 16 : i32
          %mul3A_99 = arith.muli %scan3A_96, %mul3A_98 : i32
          %get3A = arith.index_cast %mul3A_99 : i32 to index
          %get3A_100 = tpu.vector_load %arg4[%get3A] {strides = array<i32>} : memref<8192xi32, #tpu.memory_space<vmem>>, vector<16xi32>,
          %ge3A_101 = vector.broadcast %or3A : i32 to vector<16xi32>
          %ge3A_102 = arith.cmpi sge, %get3A_100, %ge3A_101 : vector<16xi32>
          %jit3A = arith.constant 1 : i32
          %jit3A_103 = arith.constant 0 : i32
          %broadcast_in_dim3A_104 = vector.broadcast %jit3A : i32 to vector<16xi32>
          %broadcast_in_dim3A_105 = vector.broadcast %jit3A_103 : i32 to vector<16xi32>
          %select_n3A_106 = arith.select %ge3A_102, %broadcast_in_dim3A_104, %broadcast_in_dim3A_105 : vector<16xi1>, vector<16xi32>
          %add3A_107 = arith.addi %scan3A_97, %select_n3A_106 : vector<16xi32>
          %scan3A_108 = arith.constant 1 : i32
          %scan3A_109 = arith.addi %scan3A_96, %scan3A_108 : i32
          %mul3A_110 = arith.constant 16 : i32
          %mul3A_111 = arith.muli %scan3A_109, %mul3A_110 : i32
          %get3A_112 = arith.index_cast %mul3A_111 : i32 to index
          %get3A_113 = tpu.vector_load %arg4[%get3A_112] {strides = array<i32>} : memref<8192xi32, #tpu.memory_space<vmem>>, vector<16xi32>,
          %ge3A_114 = vector.broadcast %or3A : i32 to vector<16xi32>
          %ge3A_115 = arith.cmpi sge, %get3A_113, %ge3A_114 : vector<16xi32>
          %jit3A_116 = arith.constant 1 : i32
          %jit3A_117 = arith.constant 0 : i32
          %broadcast_in_dim3A_118 = vector.broadcast %jit3A_116 : i32 to vector<16xi32>
          %broadcast_in_dim3A_119 = vector.broadcast %jit3A_117 : i32 to vector<16xi32>
          %select_n3A_120 = arith.select %ge3A_115, %broadcast_in_dim3A_118, %broadcast_in_dim3A_119 : vector<16xi1>, vector<16xi32>
          %add3A_121 = arith.addi %add3A_107, %select_n3A_120 : vector<16xi32>
          %scan3A_122 = arith.constant 2 : i32
          %scan3A_123 = arith.addi %scan3A_96, %scan3A_122 : i32
          %mul3A_124 = arith.constant 16 : i32
          %mul3A_125 = arith.muli %scan3A_123, %mul3A_124 : i32
          %get3A_126 = arith.index_cast %mul3A_125 : i32 to index
          %get3A_127 = tpu.vector_load %arg4[%get3A_126] {strides = array<i32>} : memref<8192xi32, #tpu.memory_space<vmem>>, vector<16xi32>,
          %ge3A_128 = vector.broadcast %or3A : i32 to vector<16xi32>
          %ge3A_129 = arith.cmpi sge, %get3A_127, %ge3A_128 : vector<16xi32>
          %jit3A_130 = arith.constant 1 : i32
          %jit3A_131 = arith.constant 0 : i32
          %broadcast_in_dim3A_132 = vector.broadcast %jit3A_130 : i32 to vector<16xi32>
          %broadcast_in_dim3A_133 = vector.broadcast %jit3A_131 : i32 to vector<16xi32>
          %select_n3A_134 = arith.select %ge3A_129, %broadcast_in_dim3A_132, %broadcast_in_dim3A_133 : vector<16xi1>, vector<16xi32>
          %add3A_135 = arith.addi %add3A_121, %select_n3A_134 : vector<16xi32>
          %scan3A_136 = arith.constant 3 : i32
          %scan3A_137 = arith.addi %scan3A_96, %scan3A_136 : i32
          %mul3A_138 = arith.constant 16 : i32
          %mul3A_139 = arith.muli %scan3A_137, %mul3A_138 : i32
          %get3A_140 = arith.index_cast %mul3A_139 : i32 to index
          %get3A_141 = tpu.vector_load %arg4[%get3A_140] {strides = array<i32>} : memref<8192xi32, #tpu.memory_space<vmem>>, vector<16xi32>,
          %ge3A_142 = vector.broadcast %or3A : i32 to vector<16xi32>
          %ge3A_143 = arith.cmpi sge, %get3A_141, %ge3A_142 : vector<16xi32>
          %jit3A_144 = arith.constant 1 : i32
          %jit3A_145 = arith.constant 0 : i32
          %broadcast_in_dim3A_146 = vector.broadcast %jit3A_144 : i32 to vector<16xi32>
          %broadcast_in_dim3A_147 = vector.broadcast %jit3A_145 : i32 to vector<16xi32>
          %select_n3A_148 = arith.select %ge3A_143, %broadcast_in_dim3A_146, %broadcast_in_dim3A_147 : vector<16xi1>, vector<16xi32>
          %add3A_149 = arith.addi %add3A_135, %select_n3A_148 : vector<16xi32>
          %scan3A_150 = arith.constant 4 : i32
          %scan3A_151 = arith.addi %scan3A_96, %scan3A_150 : i32
          %mul3A_152 = arith.constant 16 : i32
          %mul3A_153 = arith.muli %scan3A_151, %mul3A_152 : i32
          %get3A_154 = arith.index_cast %mul3A_153 : i32 to index
          %get3A_155 = tpu.vector_load %arg4[%get3A_154] {strides = array<i32>} : memref<8192xi32, #tpu.memory_space<vmem>>, vector<16xi32>,
          %ge3A_156 = vector.broadcast %or3A : i32 to vector<16xi32>
          %ge3A_157 = arith.cmpi sge, %get3A_155, %ge3A_156 : vector<16xi32>
          %jit3A_158 = arith.constant 1 : i32
          %jit3A_159 = arith.constant 0 : i32
          %broadcast_in_dim3A_160 = vector.broadcast %jit3A_158 : i32 to vector<16xi32>
          %broadcast_in_dim3A_161 = vector.broadcast %jit3A_159 : i32 to vector<16xi32>
          %select_n3A_162 = arith.select %ge3A_157, %broadcast_in_dim3A_160, %broadcast_in_dim3A_161 : vector<16xi1>, vector<16xi32>
          %add3A_163 = arith.addi %add3A_149, %select_n3A_162 : vector<16xi32>
          %scan3A_164 = arith.constant 5 : i32
          %scan3A_165 = arith.addi %scan3A_96, %scan3A_164 : i32
          %mul3A_166 = arith.constant 16 : i32
          %mul3A_167 = arith.muli %scan3A_165, %mul3A_166 : i32
          %get3A_168 = arith.index_cast %mul3A_167 : i32 to index
          %get3A_169 = tpu.vector_load %arg4[%get3A_168] {strides = array<i32>} : memref<8192xi32, #tpu.memory_space<vmem>>, vector<16xi32>,
          %ge3A_170 = vector.broadcast %or3A : i32 to vector<16xi32>
          %ge3A_171 = arith.cmpi sge, %get3A_169, %ge3A_170 : vector<16xi32>
          %jit3A_172 = arith.constant 1 : i32
          %jit3A_173 = arith.constant 0 : i32
          %broadcast_in_dim3A_174 = vector.broadcast %jit3A_172 : i32 to vector<16xi32>
          %broadcast_in_dim3A_175 = vector.broadcast %jit3A_173 : i32 to vector<16xi32>
          %select_n3A_176 = arith.select %ge3A_171, %broadcast_in_dim3A_174, %broadcast_in_dim3A_175 : vector<16xi1>, vector<16xi32>
          %add3A_177 = arith.addi %add3A_163, %select_n3A_176 : vector<16xi32>
          %scan3A_178 = arith.constant 6 : i32
          %scan3A_179 = arith.addi %scan3A_96, %scan3A_178 : i32
          %mul3A_180 = arith.constant 16 : i32
          %mul3A_181 = arith.muli %scan3A_179, %mul3A_180 : i32
          %get3A_182 = arith.index_cast %mul3A_181 : i32 to index
          %get3A_183 = tpu.vector_load %arg4[%get3A_182] {strides = array<i32>} : memref<8192xi32, #tpu.memory_space<vmem>>, vector<16xi32>,
          %ge3A_184 = vector.broadcast %or3A : i32 to vector<16xi32>
          %ge3A_185 = arith.cmpi sge, %get3A_183, %ge3A_184 : vector<16xi32>
          %jit3A_186 = arith.constant 1 : i32
          %jit3A_187 = arith.constant 0 : i32
          %broadcast_in_dim3A_188 = vector.broadcast %jit3A_186 : i32 to vector<16xi32>
          %broadcast_in_dim3A_189 = vector.broadcast %jit3A_187 : i32 to vector<16xi32>
          %select_n3A_190 = arith.select %ge3A_185, %broadcast_in_dim3A_188, %broadcast_in_dim3A_189 : vector<16xi1>, vector<16xi32>
          %add3A_191 = arith.addi %add3A_177, %select_n3A_190 : vector<16xi32>
          %scan3A_192 = arith.constant 7 : i32
          %scan3A_193 = arith.addi %scan3A_96, %scan3A_192 : i32
          %mul3A_194 = arith.constant 16 : i32
          %mul3A_195 = arith.muli %scan3A_193, %mul3A_194 : i32
          %get3A_196 = arith.index_cast %mul3A_195 : i32 to index
          %get3A_197 = tpu.vector_load %arg4[%get3A_196] {strides = array<i32>} : memref<8192xi32, #tpu.memory_space<vmem>>, vector<16xi32>,
          %ge3A_198 = vector.broadcast %or3A : i32 to vector<16xi32>
          %ge3A_199 = arith.cmpi sge, %get3A_197, %ge3A_198 : vector<16xi32>
          %jit3A_200 = arith.constant 1 : i32
          %jit3A_201 = arith.constant 0 : i32
          %broadcast_in_dim3A_202 = vector.broadcast %jit3A_200 : i32 to vector<16xi32>
          %broadcast_in_dim3A_203 = vector.broadcast %jit3A_201 : i32 to vector<16xi32>
          %select_n3A_204 = arith.select %ge3A_199, %broadcast_in_dim3A_202, %broadcast_in_dim3A_203 : vector<16xi1>, vector<16xi32>
          %add3A_205 = arith.addi %add3A_191, %select_n3A_204 : vector<16xi32>
          scf.yield %add3A_205 : vector<16xi32>
        }
        %scan3A_90 = arith.constant 512 : i32
        %reduce_sum3A_91 = arith.constant true
        %reduce_sum3A_92 = vector.broadcast %reduce_sum3A_91 : i1 to vector<16xi1>
        %reduce_sum3A_93 = tpu.scan <sum>, %scan3A_89 masked %reduce_sum3A_92 : vector<16xi32>, vector<16xi1> -> vector<16xi32>
        %reduce_sum3A_94 = vector.extract %reduce_sum3A_93[15] : i32 from vector<16xi32>
        %ge3A = arith.constant 4096 : i32
        %ge3A_95 = arith.cmpi sge, %reduce_sum3A_94, %ge3A : i32
        %select_n3A = arith.select %ge3A_95, %or3A, %while3A_77 : i32
        scf.yield %select_n3A : i32
      }
      %add3A_53 = arith.constant 1 : i32
      %add3A_54 = arith.addi %while3A_52, %add3A_53 : i32
      %broadcast_in_dim3A_55 = arith.constant 0 : i32
      %broadcast_in_dim3A_56 = vector.broadcast %broadcast_in_dim3A_55 : i32 to vector<16xi32>
      %scan3A_57 = arith.constant 0 : i32
      %scan3A_58 = arith.constant 512 : i32
      %scan3A_59 = arith.addi %scan3A_57, %scan3A_58 : i32
      %scan3A_60 = arith.constant 8 : i32
      %scan3A_61 = scf.for %scan3A_76 = %scan3A_57 to %scan3A_59 step %scan3A_60 iter_args(%scan3A_77 = %broadcast_in_dim3A_56) -> (vector<16xi32>)  : i32 {
        %mul3A_78 = arith.constant 16 : i32
        %mul3A_79 = arith.muli %scan3A_76, %mul3A_78 : i32
        %get3A = arith.index_cast %mul3A_79 : i32 to index
        %get3A_80 = tpu.vector_load %arg4[%get3A] {strides = array<i32>} : memref<8192xi32, #tpu.memory_space<vmem>>, vector<16xi32>,
        %ge3A = vector.broadcast %add3A_54 : i32 to vector<16xi32>
        %ge3A_81 = arith.cmpi sge, %get3A_80, %ge3A : vector<16xi32>
        %jit3A = arith.constant 1 : i32
        %jit3A_82 = arith.constant 0 : i32
        %broadcast_in_dim3A_83 = vector.broadcast %jit3A : i32 to vector<16xi32>
        %broadcast_in_dim3A_84 = vector.broadcast %jit3A_82 : i32 to vector<16xi32>
        %select_n3A = arith.select %ge3A_81, %broadcast_in_dim3A_83, %broadcast_in_dim3A_84 : vector<16xi1>, vector<16xi32>
        %add3A_85 = arith.addi %scan3A_77, %select_n3A : vector<16xi32>
        %scan3A_86 = arith.constant 1 : i32
        %scan3A_87 = arith.addi %scan3A_76, %scan3A_86 : i32
        %mul3A_88 = arith.constant 16 : i32
        %mul3A_89 = arith.muli %scan3A_87, %mul3A_88 : i32
        %get3A_90 = arith.index_cast %mul3A_89 : i32 to index
        %get3A_91 = tpu.vector_load %arg4[%get3A_90] {strides = array<i32>} : memref<8192xi32, #tpu.memory_space<vmem>>, vector<16xi32>,
        %ge3A_92 = vector.broadcast %add3A_54 : i32 to vector<16xi32>
        %ge3A_93 = arith.cmpi sge, %get3A_91, %ge3A_92 : vector<16xi32>
        %jit3A_94 = arith.constant 1 : i32
        %jit3A_95 = arith.constant 0 : i32
        %broadcast_in_dim3A_96 = vector.broadcast %jit3A_94 : i32 to vector<16xi32>
        %broadcast_in_dim3A_97 = vector.broadcast %jit3A_95 : i32 to vector<16xi32>
        %select_n3A_98 = arith.select %ge3A_93, %broadcast_in_dim3A_96, %broadcast_in_dim3A_97 : vector<16xi1>, vector<16xi32>
        %add3A_99 = arith.addi %add3A_85, %select_n3A_98 : vector<16xi32>
        %scan3A_100 = arith.constant 2 : i32
        %scan3A_101 = arith.addi %scan3A_76, %scan3A_100 : i32
        %mul3A_102 = arith.constant 16 : i32
        %mul3A_103 = arith.muli %scan3A_101, %mul3A_102 : i32
        %get3A_104 = arith.index_cast %mul3A_103 : i32 to index
        %get3A_105 = tpu.vector_load %arg4[%get3A_104] {strides = array<i32>} : memref<8192xi32, #tpu.memory_space<vmem>>, vector<16xi32>,
        %ge3A_106 = vector.broadcast %add3A_54 : i32 to vector<16xi32>
        %ge3A_107 = arith.cmpi sge, %get3A_105, %ge3A_106 : vector<16xi32>
        %jit3A_108 = arith.constant 1 : i32
        %jit3A_109 = arith.constant 0 : i32
        %broadcast_in_dim3A_110 = vector.broadcast %jit3A_108 : i32 to vector<16xi32>
        %broadcast_in_dim3A_111 = vector.broadcast %jit3A_109 : i32 to vector<16xi32>
        %select_n3A_112 = arith.select %ge3A_107, %broadcast_in_dim3A_110, %broadcast_in_dim3A_111 : vector<16xi1>, vector<16xi32>
        %add3A_113 = arith.addi %add3A_99, %select_n3A_112 : vector<16xi32>
        %scan3A_114 = arith.constant 3 : i32
        %scan3A_115 = arith.addi %scan3A_76, %scan3A_114 : i32
        %mul3A_116 = arith.constant 16 : i32
        %mul3A_117 = arith.muli %scan3A_115, %mul3A_116 : i32
        %get3A_118 = arith.index_cast %mul3A_117 : i32 to index
        %get3A_119 = tpu.vector_load %arg4[%get3A_118] {strides = array<i32>} : memref<8192xi32, #tpu.memory_space<vmem>>, vector<16xi32>,
        %ge3A_120 = vector.broadcast %add3A_54 : i32 to vector<16xi32>
        %ge3A_121 = arith.cmpi sge, %get3A_119, %ge3A_120 : vector<16xi32>
        %jit3A_122 = arith.constant 1 : i32
        %jit3A_123 = arith.constant 0 : i32
        %broadcast_in_dim3A_124 = vector.broadcast %jit3A_122 : i32 to vector<16xi32>
        %broadcast_in_dim3A_125 = vector.broadcast %jit3A_123 : i32 to vector<16xi32>
        %select_n3A_126 = arith.select %ge3A_121, %broadcast_in_dim3A_124, %broadcast_in_dim3A_125 : vector<16xi1>, vector<16xi32>
        %add3A_127 = arith.addi %add3A_113, %select_n3A_126 : vector<16xi32>
        %scan3A_128 = arith.constant 4 : i32
        %scan3A_129 = arith.addi %scan3A_76, %scan3A_128 : i32
        %mul3A_130 = arith.constant 16 : i32
        %mul3A_131 = arith.muli %scan3A_129, %mul3A_130 : i32
        %get3A_132 = arith.index_cast %mul3A_131 : i32 to index
        %get3A_133 = tpu.vector_load %arg4[%get3A_132] {strides = array<i32>} : memref<8192xi32, #tpu.memory_space<vmem>>, vector<16xi32>,
        %ge3A_134 = vector.broadcast %add3A_54 : i32 to vector<16xi32>
        %ge3A_135 = arith.cmpi sge, %get3A_133, %ge3A_134 : vector<16xi32>
        %jit3A_136 = arith.constant 1 : i32
        %jit3A_137 = arith.constant 0 : i32
        %broadcast_in_dim3A_138 = vector.broadcast %jit3A_136 : i32 to vector<16xi32>
        %broadcast_in_dim3A_139 = vector.broadcast %jit3A_137 : i32 to vector<16xi32>
        %select_n3A_140 = arith.select %ge3A_135, %broadcast_in_dim3A_138, %broadcast_in_dim3A_139 : vector<16xi1>, vector<16xi32>
        %add3A_141 = arith.addi %add3A_127, %select_n3A_140 : vector<16xi32>
        %scan3A_142 = arith.constant 5 : i32
        %scan3A_143 = arith.addi %scan3A_76, %scan3A_142 : i32
        %mul3A_144 = arith.constant 16 : i32
        %mul3A_145 = arith.muli %scan3A_143, %mul3A_144 : i32
        %get3A_146 = arith.index_cast %mul3A_145 : i32 to index
        %get3A_147 = tpu.vector_load %arg4[%get3A_146] {strides = array<i32>} : memref<8192xi32, #tpu.memory_space<vmem>>, vector<16xi32>,
        %ge3A_148 = vector.broadcast %add3A_54 : i32 to vector<16xi32>
        %ge3A_149 = arith.cmpi sge, %get3A_147, %ge3A_148 : vector<16xi32>
        %jit3A_150 = arith.constant 1 : i32
        %jit3A_151 = arith.constant 0 : i32
        %broadcast_in_dim3A_152 = vector.broadcast %jit3A_150 : i32 to vector<16xi32>
        %broadcast_in_dim3A_153 = vector.broadcast %jit3A_151 : i32 to vector<16xi32>
        %select_n3A_154 = arith.select %ge3A_149, %broadcast_in_dim3A_152, %broadcast_in_dim3A_153 : vector<16xi1>, vector<16xi32>
        %add3A_155 = arith.addi %add3A_141, %select_n3A_154 : vector<16xi32>
        %scan3A_156 = arith.constant 6 : i32
        %scan3A_157 = arith.addi %scan3A_76, %scan3A_156 : i32
        %mul3A_158 = arith.constant 16 : i32
        %mul3A_159 = arith.muli %scan3A_157, %mul3A_158 : i32
        %get3A_160 = arith.index_cast %mul3A_159 : i32 to index
        %get3A_161 = tpu.vector_load %arg4[%get3A_160] {strides = array<i32>} : memref<8192xi32, #tpu.memory_space<vmem>>, vector<16xi32>,
        %ge3A_162 = vector.broadcast %add3A_54 : i32 to vector<16xi32>
        %ge3A_163 = arith.cmpi sge, %get3A_161, %ge3A_162 : vector<16xi32>
        %jit3A_164 = arith.constant 1 : i32
        %jit3A_165 = arith.constant 0 : i32
        %broadcast_in_dim3A_166 = vector.broadcast %jit3A_164 : i32 to vector<16xi32>
        %broadcast_in_dim3A_167 = vector.broadcast %jit3A_165 : i32 to vector<16xi32>
        %select_n3A_168 = arith.select %ge3A_163, %broadcast_in_dim3A_166, %broadcast_in_dim3A_167 : vector<16xi1>, vector<16xi32>
        %add3A_169 = arith.addi %add3A_155, %select_n3A_168 : vector<16xi32>
        %scan3A_170 = arith.constant 7 : i32
        %scan3A_171 = arith.addi %scan3A_76, %scan3A_170 : i32
        %mul3A_172 = arith.constant 16 : i32
        %mul3A_173 = arith.muli %scan3A_171, %mul3A_172 : i32
        %get3A_174 = arith.index_cast %mul3A_173 : i32 to index
        %get3A_175 = tpu.vector_load %arg4[%get3A_174] {strides = array<i32>} : memref<8192xi32, #tpu.memory_space<vmem>>, vector<16xi32>,
        %ge3A_176 = vector.broadcast %add3A_54 : i32 to vector<16xi32>
        %ge3A_177 = arith.cmpi sge, %get3A_175, %ge3A_176 : vector<16xi32>
        %jit3A_178 = arith.constant 1 : i32
        %jit3A_179 = arith.constant 0 : i32
        %broadcast_in_dim3A_180 = vector.broadcast %jit3A_178 : i32 to vector<16xi32>
        %broadcast_in_dim3A_181 = vector.broadcast %jit3A_179 : i32 to vector<16xi32>
        %select_n3A_182 = arith.select %ge3A_177, %broadcast_in_dim3A_180, %broadcast_in_dim3A_181 : vector<16xi1>, vector<16xi32>
        %add3A_183 = arith.addi %add3A_169, %select_n3A_182 : vector<16xi32>
        scf.yield %add3A_183 : vector<16xi32>
      }
      %scan3A_62 = arith.constant 512 : i32
      %reduce_sum3A = arith.constant true
      %reduce_sum3A_63 = vector.broadcast %reduce_sum3A : i1 to vector<16xi1>
      %reduce_sum3A_64 = tpu.scan <sum>, %scan3A_61 masked %reduce_sum3A_63 : vector<16xi32>, vector<16xi1> -> vector<16xi32>
      %reduce_sum3A_65 = vector.extract %reduce_sum3A_64[15] : i32 from vector<16xi32>
      %sub3A_66 = arith.constant 4096 : i32
      %sub3A_67 = arith.subi %sub3A_66, %reduce_sum3A_65 : i32
      %scan3A_68 = arith.constant 0 : i32
      %scan3A_69 = arith.constant 0 : i32
      %scan3A_70 = arith.constant 0 : i32
      %scan3A_71 = arith.constant 512 : i32
      %scan3A_72 = arith.addi %scan3A_70, %scan3A_71 : i32
      %scan3A_73 = arith.constant 4 : i32
      %scan3A_74:2 = scf.for %scan3A_76 = %scan3A_70 to %scan3A_72 step %scan3A_73 iter_args(%scan3A_77 = %scan3A_68, %scan3A_78 = %scan3A_69) -> (i32, i32)  : i32 {
        %mul3A_79 = arith.constant 16 : i32
        %mul3A_80 = arith.muli %scan3A_76, %mul3A_79 : i32
        %get3A = arith.index_cast %mul3A_80 : i32 to index
        %get3A_81 = tpu.vector_load %arg4[%get3A] {strides = array<i32>} : memref<8192xi32, #tpu.memory_space<vmem>>, vector<16xi32>,
        %gt3A = vector.broadcast %while3A_52 : i32 to vector<16xi32>
        %gt3A_82 = arith.cmpi sgt, %get3A_81, %gt3A : vector<16xi32>
        %eq3A = vector.broadcast %while3A_52 : i32 to vector<16xi32>
        %eq3A_83 = arith.cmpi eq, %get3A_81, %eq3A : vector<16xi32>
        %jit3A = arith.constant 1 : i32
        %jit3A_84 = arith.constant 0 : i32
        %broadcast_in_dim3A_85 = vector.broadcast %jit3A : i32 to vector<16xi32>
        %broadcast_in_dim3A_86 = vector.broadcast %jit3A_84 : i32 to vector<16xi32>
        %select_n3A = arith.select %eq3A_83, %broadcast_in_dim3A_85, %broadcast_in_dim3A_86 : vector<16xi1>, vector<16xi32>
        %broadcast_in_dim3A_87 = arith.constant true
        %broadcast_in_dim3A_88 = vector.broadcast %broadcast_in_dim3A_87 : i1 to vector<16xi1>
        %masked_cumsum3A = tpu.scan <sum>, %select_n3A masked %broadcast_in_dim3A_88 : vector<16xi32>, vector<16xi1> -> vector<16xi32>
        %sub3A_89 = arith.subi %masked_cumsum3A, %select_n3A : vector<16xi32>
        %add3A_90 = vector.broadcast %scan3A_78 : i32 to vector<16xi32>
        %add3A_91 = arith.addi %add3A_90, %sub3A_89 : vector<16xi32>
        %lt3A_92 = vector.broadcast %sub3A_67 : i32 to vector<16xi32>
        %lt3A_93 = arith.cmpi slt, %add3A_91, %lt3A_92 : vector<16xi32>
        %and3A_94 = arith.andi %eq3A_83, %lt3A_93 : vector<16xi1>
        %or3A = arith.ori %gt3A_82, %and3A_94 : vector<16xi1>
        %mul3A_95 = arith.constant 16 : i32
        %mul3A_96 = arith.muli %scan3A_76, %mul3A_95 : i32
        %add3A_97 = vector.broadcast %mul3A_96 : i32 to vector<16xi32>
        %add3A_98 = arith.addi %iota3A, %add3A_97 : vector<16xi32>
        %swap3A = arith.index_cast %scan3A_77 : i32 to index
        %swap3A_99 = tpu.vector_load %arg5[%swap3A] masked %or3A {strides = array<i32>} : memref<4112xi32, #tpu.memory_space<vmem>>, vector<16xi32>, vector<16xi1>
        tpu.vector_store %arg5[%swap3A], %add3A_98 masked %or3A {strides = array<i32>} : memref<4112xi32, #tpu.memory_space<vmem>>, vector<16xi32>, vector<16xi1>
        %jit3A_100 = arith.constant 1 : i32
        %jit3A_101 = arith.constant 0 : i32
        %broadcast_in_dim3A_102 = vector.broadcast %jit3A_100 : i32 to vector<16xi32>
        %broadcast_in_dim3A_103 = vector.broadcast %jit3A_101 : i32 to vector<16xi32>
        %select_n3A_104 = arith.select %or3A, %broadcast_in_dim3A_102, %broadcast_in_dim3A_103 : vector<16xi1>, vector<16xi32>
        %reduce_sum3A_105 = arith.constant true
        %reduce_sum3A_106 = vector.broadcast %reduce_sum3A_105 : i1 to vector<16xi1>
        %reduce_sum3A_107 = tpu.scan <sum>, %select_n3A_104 masked %reduce_sum3A_106 : vector<16xi32>, vector<16xi1> -> vector<16xi32>
        %reduce_sum3A_108 = vector.extract %reduce_sum3A_107[15] : i32 from vector<16xi32>
        %add3A_109 = arith.addi %scan3A_77, %reduce_sum3A_108 : i32
        %reduce_sum3A_110 = arith.constant true
        %reduce_sum3A_111 = vector.broadcast %reduce_sum3A_110 : i1 to vector<16xi1>
        %reduce_sum3A_112 = tpu.scan <sum>, %select_n3A masked %reduce_sum3A_111 : vector<16xi32>, vector<16xi1> -> vector<16xi32>
        %reduce_sum3A_113 = vector.extract %reduce_sum3A_112[15] : i32 from vector<16xi32>
        %add3A_114 = arith.addi %scan3A_78, %reduce_sum3A_113 : i32
        %scan3A_115 = arith.constant 1 : i32
        %scan3A_116 = arith.addi %scan3A_76, %scan3A_115 : i32
        %mul3A_117 = arith.constant 16 : i32
        %mul3A_118 = arith.muli %scan3A_116, %mul3A_117 : i32
        %get3A_119 = arith.index_cast %mul3A_118 : i32 to index
        %get3A_120 = tpu.vector_load %arg4[%get3A_119] {strides = array<i32>} : memref<8192xi32, #tpu.memory_space<vmem>>, vector<16xi32>,
        %gt3A_121 = vector.broadcast %while3A_52 : i32 to vector<16xi32>
        %gt3A_122 = arith.cmpi sgt, %get3A_120, %gt3A_121 : vector<16xi32>
        %eq3A_123 = vector.broadcast %while3A_52 : i32 to vector<16xi32>
        %eq3A_124 = arith.cmpi eq, %get3A_120, %eq3A_123 : vector<16xi32>
        %jit3A_125 = arith.constant 1 : i32
        %jit3A_126 = arith.constant 0 : i32
        %broadcast_in_dim3A_127 = vector.broadcast %jit3A_125 : i32 to vector<16xi32>
        %broadcast_in_dim3A_128 = vector.broadcast %jit3A_126 : i32 to vector<16xi32>
        %select_n3A_129 = arith.select %eq3A_124, %broadcast_in_dim3A_127, %broadcast_in_dim3A_128 : vector<16xi1>, vector<16xi32>
        %broadcast_in_dim3A_130 = arith.constant true
        %broadcast_in_dim3A_131 = vector.broadcast %broadcast_in_dim3A_130 : i1 to vector<16xi1>
        %masked_cumsum3A_132 = tpu.scan <sum>, %select_n3A_129 masked %broadcast_in_dim3A_131 : vector<16xi32>, vector<16xi1> -> vector<16xi32>
        %sub3A_133 = arith.subi %masked_cumsum3A_132, %select_n3A_129 : vector<16xi32>
        %add3A_134 = vector.broadcast %add3A_114 : i32 to vector<16xi32>
        %add3A_135 = arith.addi %add3A_134, %sub3A_133 : vector<16xi32>
        %lt3A_136 = vector.broadcast %sub3A_67 : i32 to vector<16xi32>
        %lt3A_137 = arith.cmpi slt, %add3A_135, %lt3A_136 : vector<16xi32>
        %and3A_138 = arith.andi %eq3A_124, %lt3A_137 : vector<16xi1>
        %or3A_139 = arith.ori %gt3A_122, %and3A_138 : vector<16xi1>
        %mul3A_140 = arith.constant 16 : i32
        %mul3A_141 = arith.muli %scan3A_116, %mul3A_140 : i32
        %add3A_142 = vector.broadcast %mul3A_141 : i32 to vector<16xi32>
        %add3A_143 = arith.addi %iota3A, %add3A_142 : vector<16xi32>
        %swap3A_144 = arith.index_cast %add3A_109 : i32 to index
        %swap3A_145 = tpu.vector_load %arg5[%swap3A_144] masked %or3A_139 {strides = array<i32>} : memref<4112xi32, #tpu.memory_space<vmem>>, vector<16xi32>, vector<16xi1>
        tpu.vector_store %arg5[%swap3A_144], %add3A_143 masked %or3A_139 {strides = array<i32>} : memref<4112xi32, #tpu.memory_space<vmem>>, vector<16xi32>, vector<16xi1>
        %jit3A_146 = arith.constant 1 : i32
        %jit3A_147 = arith.constant 0 : i32
        %broadcast_in_dim3A_148 = vector.broadcast %jit3A_146 : i32 to vector<16xi32>
        %broadcast_in_dim3A_149 = vector.broadcast %jit3A_147 : i32 to vector<16xi32>
        %select_n3A_150 = arith.select %or3A_139, %broadcast_in_dim3A_148, %broadcast_in_dim3A_149 : vector<16xi1>, vector<16xi32>
        %reduce_sum3A_151 = arith.constant true
        %reduce_sum3A_152 = vector.broadcast %reduce_sum3A_151 : i1 to vector<16xi1>
        %reduce_sum3A_153 = tpu.scan <sum>, %select_n3A_150 masked %reduce_sum3A_152 : vector<16xi32>, vector<16xi1> -> vector<16xi32>
        %reduce_sum3A_154 = vector.extract %reduce_sum3A_153[15] : i32 from vector<16xi32>
        %add3A_155 = arith.addi %add3A_109, %reduce_sum3A_154 : i32
        %reduce_sum3A_156 = arith.constant true
        %reduce_sum3A_157 = vector.broadcast %reduce_sum3A_156 : i1 to vector<16xi1>
        %reduce_sum3A_158 = tpu.scan <sum>, %select_n3A_129 masked %reduce_sum3A_157 : vector<16xi32>, vector<16xi1> -> vector<16xi32>
        %reduce_sum3A_159 = vector.extract %reduce_sum3A_158[15] : i32 from vector<16xi32>
        %add3A_160 = arith.addi %add3A_114, %reduce_sum3A_159 : i32
        %scan3A_161 = arith.constant 2 : i32
        %scan3A_162 = arith.addi %scan3A_76, %scan3A_161 : i32
        %mul3A_163 = arith.constant 16 : i32
        %mul3A_164 = arith.muli %scan3A_162, %mul3A_163 : i32
        %get3A_165 = arith.index_cast %mul3A_164 : i32 to index
        %get3A_166 = tpu.vector_load %arg4[%get3A_165] {strides = array<i32>} : memref<8192xi32, #tpu.memory_space<vmem>>, vector<16xi32>,
        %gt3A_167 = vector.broadcast %while3A_52 : i32 to vector<16xi32>
        %gt3A_168 = arith.cmpi sgt, %get3A_166, %gt3A_167 : vector<16xi32>
        %eq3A_169 = vector.broadcast %while3A_52 : i32 to vector<16xi32>
        %eq3A_170 = arith.cmpi eq, %get3A_166, %eq3A_169 : vector<16xi32>
        %jit3A_171 = arith.constant 1 : i32
        %jit3A_172 = arith.constant 0 : i32
        %broadcast_in_dim3A_173 = vector.broadcast %jit3A_171 : i32 to vector<16xi32>
        %broadcast_in_dim3A_174 = vector.broadcast %jit3A_172 : i32 to vector<16xi32>
        %select_n3A_175 = arith.select %eq3A_170, %broadcast_in_dim3A_173, %broadcast_in_dim3A_174 : vector<16xi1>, vector<16xi32>
        %broadcast_in_dim3A_176 = arith.constant true
        %broadcast_in_dim3A_177 = vector.broadcast %broadcast_in_dim3A_176 : i1 to vector<16xi1>
        %masked_cumsum3A_178 = tpu.scan <sum>, %select_n3A_175 masked %broadcast_in_dim3A_177 : vector<16xi32>, vector<16xi1> -> vector<16xi32>
        %sub3A_179 = arith.subi %masked_cumsum3A_178, %select_n3A_175 : vector<16xi32>
        %add3A_180 = vector.broadcast %add3A_160 : i32 to vector<16xi32>
        %add3A_181 = arith.addi %add3A_180, %sub3A_179 : vector<16xi32>
        %lt3A_182 = vector.broadcast %sub3A_67 : i32 to vector<16xi32>
        %lt3A_183 = arith.cmpi slt, %add3A_181, %lt3A_182 : vector<16xi32>
        %and3A_184 = arith.andi %eq3A_170, %lt3A_183 : vector<16xi1>
        %or3A_185 = arith.ori %gt3A_168, %and3A_184 : vector<16xi1>
        %mul3A_186 = arith.constant 16 : i32
        %mul3A_187 = arith.muli %scan3A_162, %mul3A_186 : i32
        %add3A_188 = vector.broadcast %mul3A_187 : i32 to vector<16xi32>
        %add3A_189 = arith.addi %iota3A, %add3A_188 : vector<16xi32>
        %swap3A_190 = arith.index_cast %add3A_155 : i32 to index
        %swap3A_191 = tpu.vector_load %arg5[%swap3A_190] masked %or3A_185 {strides = array<i32>} : memref<4112xi32, #tpu.memory_space<vmem>>, vector<16xi32>, vector<16xi1>
        tpu.vector_store %arg5[%swap3A_190], %add3A_189 masked %or3A_185 {strides = array<i32>} : memref<4112xi32, #tpu.memory_space<vmem>>, vector<16xi32>, vector<16xi1>
        %jit3A_192 = arith.constant 1 : i32
        %jit3A_193 = arith.constant 0 : i32
        %broadcast_in_dim3A_194 = vector.broadcast %jit3A_192 : i32 to vector<16xi32>
        %broadcast_in_dim3A_195 = vector.broadcast %jit3A_193 : i32 to vector<16xi32>
        %select_n3A_196 = arith.select %or3A_185, %broadcast_in_dim3A_194, %broadcast_in_dim3A_195 : vector<16xi1>, vector<16xi32>
        %reduce_sum3A_197 = arith.constant true
        %reduce_sum3A_198 = vector.broadcast %reduce_sum3A_197 : i1 to vector<16xi1>
        %reduce_sum3A_199 = tpu.scan <sum>, %select_n3A_196 masked %reduce_sum3A_198 : vector<16xi32>, vector<16xi1> -> vector<16xi32>
        %reduce_sum3A_200 = vector.extract %reduce_sum3A_199[15] : i32 from vector<16xi32>
        %add3A_201 = arith.addi %add3A_155, %reduce_sum3A_200 : i32
        %reduce_sum3A_202 = arith.constant true
        %reduce_sum3A_203 = vector.broadcast %reduce_sum3A_202 : i1 to vector<16xi1>
        %reduce_sum3A_204 = tpu.scan <sum>, %select_n3A_175 masked %reduce_sum3A_203 : vector<16xi32>, vector<16xi1> -> vector<16xi32>
        %reduce_sum3A_205 = vector.extract %reduce_sum3A_204[15] : i32 from vector<16xi32>
        %add3A_206 = arith.addi %add3A_160, %reduce_sum3A_205 : i32
        %scan3A_207 = arith.constant 3 : i32
        %scan3A_208 = arith.addi %scan3A_76, %scan3A_207 : i32
        %mul3A_209 = arith.constant 16 : i32
        %mul3A_210 = arith.muli %scan3A_208, %mul3A_209 : i32
        %get3A_211 = arith.index_cast %mul3A_210 : i32 to index
        %get3A_212 = tpu.vector_load %arg4[%get3A_211] {strides = array<i32>} : memref<8192xi32, #tpu.memory_space<vmem>>, vector<16xi32>,
        %gt3A_213 = vector.broadcast %while3A_52 : i32 to vector<16xi32>
        %gt3A_214 = arith.cmpi sgt, %get3A_212, %gt3A_213 : vector<16xi32>
        %eq3A_215 = vector.broadcast %while3A_52 : i32 to vector<16xi32>
        %eq3A_216 = arith.cmpi eq, %get3A_212, %eq3A_215 : vector<16xi32>
        %jit3A_217 = arith.constant 1 : i32
        %jit3A_218 = arith.constant 0 : i32
        %broadcast_in_dim3A_219 = vector.broadcast %jit3A_217 : i32 to vector<16xi32>
        %broadcast_in_dim3A_220 = vector.broadcast %jit3A_218 : i32 to vector<16xi32>
        %select_n3A_221 = arith.select %eq3A_216, %broadcast_in_dim3A_219, %broadcast_in_dim3A_220 : vector<16xi1>, vector<16xi32>
        %broadcast_in_dim3A_222 = arith.constant true
        %broadcast_in_dim3A_223 = vector.broadcast %broadcast_in_dim3A_222 : i1 to vector<16xi1>
        %masked_cumsum3A_224 = tpu.scan <sum>, %select_n3A_221 masked %broadcast_in_dim3A_223 : vector<16xi32>, vector<16xi1> -> vector<16xi32>
        %sub3A_225 = arith.subi %masked_cumsum3A_224, %select_n3A_221 : vector<16xi32>
        %add3A_226 = vector.broadcast %add3A_206 : i32 to vector<16xi32>
        %add3A_227 = arith.addi %add3A_226, %sub3A_225 : vector<16xi32>
        %lt3A_228 = vector.broadcast %sub3A_67 : i32 to vector<16xi32>
        %lt3A_229 = arith.cmpi slt, %add3A_227, %lt3A_228 : vector<16xi32>
        %and3A_230 = arith.andi %eq3A_216, %lt3A_229 : vector<16xi1>
        %or3A_231 = arith.ori %gt3A_214, %and3A_230 : vector<16xi1>
        %mul3A_232 = arith.constant 16 : i32
        %mul3A_233 = arith.muli %scan3A_208, %mul3A_232 : i32
        %add3A_234 = vector.broadcast %mul3A_233 : i32 to vector<16xi32>
        %add3A_235 = arith.addi %iota3A, %add3A_234 : vector<16xi32>
        %swap3A_236 = arith.index_cast %add3A_201 : i32 to index
        %swap3A_237 = tpu.vector_load %arg5[%swap3A_236] masked %or3A_231 {strides = array<i32>} : memref<4112xi32, #tpu.memory_space<vmem>>, vector<16xi32>, vector<16xi1>
        tpu.vector_store %arg5[%swap3A_236], %add3A_235 masked %or3A_231 {strides = array<i32>} : memref<4112xi32, #tpu.memory_space<vmem>>, vector<16xi32>, vector<16xi1>
        %jit3A_238 = arith.constant 1 : i32
        %jit3A_239 = arith.constant 0 : i32
        %broadcast_in_dim3A_240 = vector.broadcast %jit3A_238 : i32 to vector<16xi32>
        %broadcast_in_dim3A_241 = vector.broadcast %jit3A_239 : i32 to vector<16xi32>
        %select_n3A_242 = arith.select %or3A_231, %broadcast_in_dim3A_240, %broadcast_in_dim3A_241 : vector<16xi1>, vector<16xi32>
        %reduce_sum3A_243 = arith.constant true
        %reduce_sum3A_244 = vector.broadcast %reduce_sum3A_243 : i1 to vector<16xi1>
        %reduce_sum3A_245 = tpu.scan <sum>, %select_n3A_242 masked %reduce_sum3A_244 : vector<16xi32>, vector<16xi1> -> vector<16xi32>
        %reduce_sum3A_246 = vector.extract %reduce_sum3A_245[15] : i32 from vector<16xi32>
        %add3A_247 = arith.addi %add3A_201, %reduce_sum3A_246 : i32
        %reduce_sum3A_248 = arith.constant true
        %reduce_sum3A_249 = vector.broadcast %reduce_sum3A_248 : i1 to vector<16xi1>
        %reduce_sum3A_250 = tpu.scan <sum>, %select_n3A_221 masked %reduce_sum3A_249 : vector<16xi32>, vector<16xi1> -> vector<16xi32>
        %reduce_sum3A_251 = vector.extract %reduce_sum3A_250[15] : i32 from vector<16xi32>
        %add3A_252 = arith.addi %add3A_206, %reduce_sum3A_251 : i32
        scf.yield %add3A_247, %add3A_252 : i32, i32
      }
      %scan3A_75 = arith.constant 512 : i32
      "tpu.region"() ({
        %run_scoped3A = tpu.sem_alloc : memref<!tpu.dma_semaphore, #tpu.memory_space<semaphore_mem>>
        %dma_start3A = arith.constant 0 : i32
        %dma_start3A_76 = tpu.memref_slice %arg5[%dma_start3A] : memref<4112xi32, #tpu.memory_space<vmem>> -> memref<4096xi32, #tpu.memory_space<vmem>>
        %dma_start3A_77 = arith.constant 0 : i32
        %dma_start3A_78 = tpu.memref_slice %arg3[%add3A, %dma_start3A_77] : memref<4x4096xi32, #tpu.memory_space<hbm>> -> memref<1x4096xi32, #tpu.memory_space<hbm>>
        %dma_start3A_79 = tpu.memref_squeeze %dma_start3A_78 : memref<1x4096xi32, #tpu.memory_space<hbm>> -> memref<4096xi32, #tpu.memory_space<hbm>>
        %dma_start3A_80 = arith.constant 0 : i32
        %dma_start3A_81 = tpu.memref_slice %arg3[%add3A, %dma_start3A_80] : memref<4x4096xi32, #tpu.memory_space<hbm>> -> memref<1x4096xi32, #tpu.memory_space<hbm>>
        %dma_start3A_82 = tpu.memref_squeeze %dma_start3A_81 : memref<1x4096xi32, #tpu.memory_space<hbm>> -> memref<4096xi32, #tpu.memory_space<hbm>>
        %dma_start3A_83 = arith.constant 0 : i32
        %dma_start3A_84 = tpu.memref_slice %arg5[%dma_start3A_83] : memref<4112xi32, #tpu.memory_space<vmem>> -> memref<4096xi32, #tpu.memory_space<vmem>>
        tpu.enqueue_dma source(%dma_start3A_84 : memref<4096xi32, #tpu.memory_space<vmem>>) target(%dma_start3A_82 : memref<4096xi32, #tpu.memory_space<hbm>>) target_semaphore(%run_scoped3A : memref<!tpu.dma_semaphore, #tpu.memory_space<semaphore_mem>>)
        %dma_wait3A = arith.constant 0 : i32
        %dma_wait3A_85 = tpu.memref_slice %arg5[%dma_wait3A] : memref<4112xi32, #tpu.memory_space<vmem>> -> memref<4096xi32, #tpu.memory_space<vmem>>
        %dma_wait3A_86 = arith.constant 0 : i32
        %dma_wait3A_87 = tpu.memref_slice %arg3[%add3A, %dma_wait3A_86] : memref<4x4096xi32, #tpu.memory_space<hbm>> -> memref<1x4096xi32, #tpu.memory_space<hbm>>
        %dma_wait3A_88 = tpu.memref_squeeze %dma_wait3A_87 : memref<1x4096xi32, #tpu.memory_space<hbm>> -> memref<4096xi32, #tpu.memory_space<hbm>>
        %dma_wait3A_89 = arith.constant 0 : i32
        %dma_wait3A_90 = tpu.memref_slice %arg3[%add3A, %dma_wait3A_89] : memref<4x4096xi32, #tpu.memory_space<hbm>> -> memref<1x4096xi32, #tpu.memory_space<hbm>>
        %dma_wait3A_91 = tpu.memref_squeeze %dma_wait3A_90 : memref<1x4096xi32, #tpu.memory_space<hbm>> -> memref<4096xi32, #tpu.memory_space<hbm>>
        %dma_wait3A_92 = arith.constant 0 : i32
        %dma_wait3A_93 = tpu.memref_slice %arg5[%dma_wait3A_92] : memref<4112xi32, #tpu.memory_space<vmem>> -> memref<4096xi32, #tpu.memory_space<vmem>>
        tpu.wait_dma2 semaphore(%run_scoped3A : memref<!tpu.dma_semaphore, #tpu.memory_space<semaphore_mem>>) src(%dma_wait3A_93 : memref<4096xi32, #tpu.memory_space<vmem>>) dst(%dma_wait3A_91 : memref<4096xi32, #tpu.memory_space<hbm>>)
        tpu.yield
      }) : () -> ()
    } else {
    }
    return
  }
}

#map = affine_map<(d0, d1) -> (0, 0, 0)>
#map1 = affine_map<(d0, d1) -> (0, 0)>
module attributes {stable_mosaic.version = 14 : i64} {
  func.func @_gather_body(%arg0: i32, %arg1: i32, %arg2: memref<4x8192x2048xf32, #tpu.memory_space<hbm>>, %arg3: memref<4x4096xi32, #tpu.memory_space<hbm>>, %arg4: memref<4x4096x2048xf32, #tpu.memory_space<hbm>>, %arg5: memref<512xi32, #tpu.memory_space<vmem>>, %arg6: memref<16x2048xf32, #tpu.memory_space<vmem>>, %arg7: memref<16x2048xf32, #tpu.memory_space<vmem>>, %arg8: memref<16x2048xf32, #tpu.memory_space<vmem>>, %arg9: memref<!tpu.dma_semaphore, #tpu.memory_space<semaphore_mem>>, %arg10: memref<!tpu.dma_semaphore, #tpu.memory_space<semaphore_mem>>, %arg11: memref<!tpu.dma_semaphore, #tpu.memory_space<semaphore_mem>>, %arg12: memref<!tpu.dma_semaphore, #tpu.memory_space<semaphore_mem>>, %arg13: memref<!tpu.dma_semaphore, #tpu.memory_space<semaphore_mem>>, %arg14: memref<!tpu.dma_semaphore, #tpu.memory_space<semaphore_mem>>) attributes {dimension_semantics = [#tpu.dimension_semantics<core_parallel>, #tpu.dimension_semantics<subcore_parallel>], iteration_bounds = array<i64: 2, 16>, scalar_prefetch = 0 : i64, scratch_operands = 10 : i64, tpu.core_type = #tpu.core_type<sc_vector_subcore>, window_params = [{transform_indices = #map}, {transform_indices = #map1}, {transform_indices = #map}]} {
    %mul3A = arith.constant 2 : i32
    %mul3A_0 = arith.muli %arg1, %mul3A : i32
    %add3A = arith.addi %mul3A_0, %arg0 : i32
    %jit3A = arith.constant 8 : i32
    %div3A = arith.divsi %add3A, %jit3A : i32
    %sign3A = arith.constant 0 : i32
    %sign3A_1 = arith.cmpi sgt, %add3A, %sign3A : i32
    %sign3A_2 = arith.extui %sign3A_1 : i1 to i32
    %sign3A_3 = arith.constant 0 : i32
    %sign3A_4 = arith.cmpi slt, %add3A, %sign3A_3 : i32
    %sign3A_5 = arith.extui %sign3A_4 : i1 to i32
    %sign3A_6 = arith.subi %sign3A_2, %sign3A_5 : i32
    %sign3A_7 = arith.constant 0 : i32
    %sign3A_8 = arith.cmpi sgt, %jit3A, %sign3A_7 : i32
    %sign3A_9 = arith.extui %sign3A_8 : i1 to i32
    %sign3A_10 = arith.constant 0 : i32
    %sign3A_11 = arith.cmpi slt, %jit3A, %sign3A_10 : i32
    %sign3A_12 = arith.extui %sign3A_11 : i1 to i32
    %sign3A_13 = arith.subi %sign3A_9, %sign3A_12 : i32
    %ne3A = arith.cmpi ne, %sign3A_6, %sign3A_13 : i32
    %rem3A = arith.remsi %add3A, %jit3A : i32
    %ne3A_14 = arith.constant 0 : i32
    %ne3A_15 = arith.cmpi ne, %rem3A, %ne3A_14 : i32
    %and3A = arith.andi %ne3A, %ne3A_15 : i1
    %sub3A = arith.constant 1 : i32
    %sub3A_16 = arith.subi %div3A, %sub3A : i32
    %select_n3A = arith.select %and3A, %sub3A_16, %div3A : i32
    %jit3A_17 = arith.constant 8 : i32
    %eq3A = arith.constant 0 : i32
    %eq3A_18 = arith.cmpi eq, %jit3A_17, %eq3A : i32
    %jit3A_19 = arith.constant 1 : i32
    %select_n3A_20 = arith.select %eq3A_18, %jit3A_19, %jit3A_17 : i32
    %rem3A_21 = arith.remsi %add3A, %select_n3A_20 : i32
    %ne3A_22 = arith.constant 0 : i32
    %ne3A_23 = arith.cmpi ne, %rem3A_21, %ne3A_22 : i32
    %lt3A = arith.constant 0 : i32
    %lt3A_24 = arith.cmpi slt, %rem3A_21, %lt3A : i32
    %lt3A_25 = arith.constant 0 : i32
    %lt3A_26 = arith.cmpi slt, %select_n3A_20, %lt3A_25 : i32
    %ne3A_27 = arith.xori %lt3A_24, %lt3A_26 : i1
    %and3A_28 = arith.andi %ne3A_27, %ne3A_23 : i1
    %add3A_29 = arith.addi %rem3A_21, %select_n3A_20 : i32
    %select_n3A_30 = arith.select %and3A_28, %add3A_29, %rem3A_21 : i32
    %mul3A_31 = arith.constant 512 : i32
    %mul3A_32 = arith.muli %select_n3A_30, %mul3A_31 : i32
    "tpu.region"() ({
      %run_scoped3A = tpu.sem_alloc : memref<!tpu.dma_semaphore, #tpu.memory_space<semaphore_mem>>
      %dma_start3A_205 = tpu.memref_slice %arg3[%select_n3A, %mul3A_32] : memref<4x4096xi32, #tpu.memory_space<hbm>> -> memref<1x512xi32, #tpu.memory_space<hbm>>
      %dma_start3A_206 = tpu.memref_squeeze %dma_start3A_205 : memref<1x512xi32, #tpu.memory_space<hbm>> -> memref<512xi32, #tpu.memory_space<hbm>>
      %dma_start3A_207 = tpu.memref_slice %arg3[%select_n3A, %mul3A_32] : memref<4x4096xi32, #tpu.memory_space<hbm>> -> memref<1x512xi32, #tpu.memory_space<hbm>>
      %dma_start3A_208 = tpu.memref_squeeze %dma_start3A_207 : memref<1x512xi32, #tpu.memory_space<hbm>> -> memref<512xi32, #tpu.memory_space<hbm>>
      tpu.enqueue_dma source(%dma_start3A_208 : memref<512xi32, #tpu.memory_space<hbm>>) target(%arg5 : memref<512xi32, #tpu.memory_space<vmem>>) target_semaphore(%run_scoped3A : memref<!tpu.dma_semaphore, #tpu.memory_space<semaphore_mem>>)
      %dma_wait3A_209 = tpu.memref_slice %arg3[%select_n3A, %mul3A_32] : memref<4x4096xi32, #tpu.memory_space<hbm>> -> memref<1x512xi32, #tpu.memory_space<hbm>>
      %dma_wait3A_210 = tpu.memref_squeeze %dma_wait3A_209 : memref<1x512xi32, #tpu.memory_space<hbm>> -> memref<512xi32, #tpu.memory_space<hbm>>
      %dma_wait3A_211 = tpu.memref_slice %arg3[%select_n3A, %mul3A_32] : memref<4x4096xi32, #tpu.memory_space<hbm>> -> memref<1x512xi32, #tpu.memory_space<hbm>>
      %dma_wait3A_212 = tpu.memref_squeeze %dma_wait3A_211 : memref<1x512xi32, #tpu.memory_space<hbm>> -> memref<512xi32, #tpu.memory_space<hbm>>
      tpu.wait_dma2 semaphore(%run_scoped3A : memref<!tpu.dma_semaphore, #tpu.memory_space<semaphore_mem>>) src(%dma_wait3A_212 : memref<512xi32, #tpu.memory_space<hbm>>) dst(%arg5 : memref<512xi32, #tpu.memory_space<vmem>>)
      tpu.yield
    }) : () -> ()
    %dma_start3A = arith.constant 0 : i32
    %dma_start3A_33 = tpu.memref_slice %arg5[%dma_start3A] : memref<512xi32, #tpu.memory_space<vmem>> -> memref<16xi32, #tpu.memory_space<vmem>>
    %dma_start3A_34 = arith.constant 0 : i32
    %dma_start3A_35 = arith.constant 0 : i32
    %dma_start3A_36 = tpu.memref_slice %arg2[%select_n3A, %dma_start3A_34, %dma_start3A_35] : memref<4x8192x2048xf32, #tpu.memory_space<hbm>> -> memref<1x8192x2048xf32, #tpu.memory_space<hbm>>
    %dma_start3A_37 = tpu.memref_squeeze %dma_start3A_36 : memref<1x8192x2048xf32, #tpu.memory_space<hbm>> -> memref<8192x2048xf32, #tpu.memory_space<hbm>>
    %dma_start3A_38 = arith.constant 0 : i32
    %dma_start3A_39 = arith.constant 0 : i32
    %dma_start3A_40 = tpu.memref_slice %dma_start3A_37[%dma_start3A_38, %dma_start3A_39] : memref<8192x2048xf32, #tpu.memory_space<hbm>> -> memref<8192x2048xf32, #tpu.memory_space<hbm>>
    tpu.enqueue_indirect_dma source(%dma_start3A_40 : memref<8192x2048xf32, #tpu.memory_space<hbm>>) target(%arg6 : memref<16x2048xf32, #tpu.memory_space<vmem>>) offsets(%dma_start3A_33 : memref<16xi32, #tpu.memory_space<vmem>>) semaphore(%arg9 : memref<!tpu.dma_semaphore, #tpu.memory_space<semaphore_mem>>)
    %dma_start3A_41 = arith.constant 16 : i32
    %dma_start3A_42 = tpu.memref_slice %arg5[%dma_start3A_41] : memref<512xi32, #tpu.memory_space<vmem>> -> memref<16xi32, #tpu.memory_space<vmem>>
    %dma_start3A_43 = arith.constant 0 : i32
    %dma_start3A_44 = arith.constant 0 : i32
    %dma_start3A_45 = tpu.memref_slice %arg2[%select_n3A, %dma_start3A_43, %dma_start3A_44] : memref<4x8192x2048xf32, #tpu.memory_space<hbm>> -> memref<1x8192x2048xf32, #tpu.memory_space<hbm>>
    %dma_start3A_46 = tpu.memref_squeeze %dma_start3A_45 : memref<1x8192x2048xf32, #tpu.memory_space<hbm>> -> memref<8192x2048xf32, #tpu.memory_space<hbm>>
    %dma_start3A_47 = arith.constant 0 : i32
    %dma_start3A_48 = arith.constant 0 : i32
    %dma_start3A_49 = tpu.memref_slice %dma_start3A_46[%dma_start3A_47, %dma_start3A_48] : memref<8192x2048xf32, #tpu.memory_space<hbm>> -> memref<8192x2048xf32, #tpu.memory_space<hbm>>
    tpu.enqueue_indirect_dma source(%dma_start3A_49 : memref<8192x2048xf32, #tpu.memory_space<hbm>>) target(%arg7 : memref<16x2048xf32, #tpu.memory_space<vmem>>) offsets(%dma_start3A_42 : memref<16xi32, #tpu.memory_space<vmem>>) semaphore(%arg10 : memref<!tpu.dma_semaphore, #tpu.memory_space<semaphore_mem>>)
    %dma_wait3A = arith.constant 0 : i32
    %dma_wait3A_50 = tpu.memref_slice %arg5[%dma_wait3A] : memref<512xi32, #tpu.memory_space<vmem>> -> memref<16xi32, #tpu.memory_space<vmem>>
    %dma_wait3A_51 = arith.constant 0 : i32
    %dma_wait3A_52 = arith.constant 0 : i32
    %dma_wait3A_53 = tpu.memref_slice %arg2[%select_n3A, %dma_wait3A_51, %dma_wait3A_52] : memref<4x8192x2048xf32, #tpu.memory_space<hbm>> -> memref<1x8192x2048xf32, #tpu.memory_space<hbm>>
    %dma_wait3A_54 = tpu.memref_squeeze %dma_wait3A_53 : memref<1x8192x2048xf32, #tpu.memory_space<hbm>> -> memref<8192x2048xf32, #tpu.memory_space<hbm>>
    %dma_wait3A_55 = arith.constant 0 : i32
    %dma_wait3A_56 = arith.constant 0 : i32
    %dma_wait3A_57 = tpu.memref_slice %dma_wait3A_54[%dma_wait3A_55, %dma_wait3A_56] : memref<8192x2048xf32, #tpu.memory_space<hbm>> -> memref<8192x2048xf32, #tpu.memory_space<hbm>>
    tpu.wait_indirect_dma semaphore(%arg9 : memref<!tpu.dma_semaphore, #tpu.memory_space<semaphore_mem>>) src(%dma_wait3A_57 : memref<8192x2048xf32, #tpu.memory_space<hbm>>) dst(%arg6 : memref<16x2048xf32, #tpu.memory_space<vmem>>)
    %add3A_58 = arith.constant 0 : i32
    %add3A_59 = arith.addi %mul3A_32, %add3A_58 : i32
    %dma_start3A_60 = arith.constant 0 : i32
    %dma_start3A_61 = tpu.memref_slice %arg4[%select_n3A, %add3A_59, %dma_start3A_60] : memref<4x4096x2048xf32, #tpu.memory_space<hbm>> -> memref<1x16x2048xf32, #tpu.memory_space<hbm>>
    %dma_start3A_62 = tpu.memref_squeeze %dma_start3A_61 : memref<1x16x2048xf32, #tpu.memory_space<hbm>> -> memref<16x2048xf32, #tpu.memory_space<hbm>>
    %dma_start3A_63 = arith.constant 0 : i32
    %dma_start3A_64 = tpu.memref_slice %arg4[%select_n3A, %add3A_59, %dma_start3A_63] : memref<4x4096x2048xf32, #tpu.memory_space<hbm>> -> memref<1x16x2048xf32, #tpu.memory_space<hbm>>
    %dma_start3A_65 = tpu.memref_squeeze %dma_start3A_64 : memref<1x16x2048xf32, #tpu.memory_space<hbm>> -> memref<16x2048xf32, #tpu.memory_space<hbm>>
    tpu.enqueue_dma source(%arg6 : memref<16x2048xf32, #tpu.memory_space<vmem>>) target(%dma_start3A_65 : memref<16x2048xf32, #tpu.memory_space<hbm>>) target_semaphore(%arg12 : memref<!tpu.dma_semaphore, #tpu.memory_space<semaphore_mem>>)
    %dma_start3A_66 = arith.constant 32 : i32
    %dma_start3A_67 = tpu.memref_slice %arg5[%dma_start3A_66] : memref<512xi32, #tpu.memory_space<vmem>> -> memref<16xi32, #tpu.memory_space<vmem>>
    %dma_start3A_68 = arith.constant 0 : i32
    %dma_start3A_69 = arith.constant 0 : i32
    %dma_start3A_70 = tpu.memref_slice %arg2[%select_n3A, %dma_start3A_68, %dma_start3A_69] : memref<4x8192x2048xf32, #tpu.memory_space<hbm>> -> memref<1x8192x2048xf32, #tpu.memory_space<hbm>>
    %dma_start3A_71 = tpu.memref_squeeze %dma_start3A_70 : memref<1x8192x2048xf32, #tpu.memory_space<hbm>> -> memref<8192x2048xf32, #tpu.memory_space<hbm>>
    %dma_start3A_72 = arith.constant 0 : i32
    %dma_start3A_73 = arith.constant 0 : i32
    %dma_start3A_74 = tpu.memref_slice %dma_start3A_71[%dma_start3A_72, %dma_start3A_73] : memref<8192x2048xf32, #tpu.memory_space<hbm>> -> memref<8192x2048xf32, #tpu.memory_space<hbm>>
    tpu.enqueue_indirect_dma source(%dma_start3A_74 : memref<8192x2048xf32, #tpu.memory_space<hbm>>) target(%arg8 : memref<16x2048xf32, #tpu.memory_space<vmem>>) offsets(%dma_start3A_67 : memref<16xi32, #tpu.memory_space<vmem>>) semaphore(%arg11 : memref<!tpu.dma_semaphore, #tpu.memory_space<semaphore_mem>>)
    %dma_wait3A_75 = arith.constant 16 : i32
    %dma_wait3A_76 = tpu.memref_slice %arg5[%dma_wait3A_75] : memref<512xi32, #tpu.memory_space<vmem>> -> memref<16xi32, #tpu.memory_space<vmem>>
    %dma_wait3A_77 = arith.constant 0 : i32
    %dma_wait3A_78 = arith.constant 0 : i32
    %dma_wait3A_79 = tpu.memref_slice %arg2[%select_n3A, %dma_wait3A_77, %dma_wait3A_78] : memref<4x8192x2048xf32, #tpu.memory_space<hbm>> -> memref<1x8192x2048xf32, #tpu.memory_space<hbm>>
    %dma_wait3A_80 = tpu.memref_squeeze %dma_wait3A_79 : memref<1x8192x2048xf32, #tpu.memory_space<hbm>> -> memref<8192x2048xf32, #tpu.memory_space<hbm>>
    %dma_wait3A_81 = arith.constant 0 : i32
    %dma_wait3A_82 = arith.constant 0 : i32
    %dma_wait3A_83 = tpu.memref_slice %dma_wait3A_80[%dma_wait3A_81, %dma_wait3A_82] : memref<8192x2048xf32, #tpu.memory_space<hbm>> -> memref<8192x2048xf32, #tpu.memory_space<hbm>>
    tpu.wait_indirect_dma semaphore(%arg10 : memref<!tpu.dma_semaphore, #tpu.memory_space<semaphore_mem>>) src(%dma_wait3A_83 : memref<8192x2048xf32, #tpu.memory_space<hbm>>) dst(%arg7 : memref<16x2048xf32, #tpu.memory_space<vmem>>)
    %add3A_84 = arith.constant 16 : i32
    %add3A_85 = arith.addi %mul3A_32, %add3A_84 : i32
    %dma_start3A_86 = arith.constant 0 : i32
    %dma_start3A_87 = tpu.memref_slice %arg4[%select_n3A, %add3A_85, %dma_start3A_86] : memref<4x4096x2048xf32, #tpu.memory_space<hbm>> -> memref<1x16x2048xf32, #tpu.memory_space<hbm>>
    %dma_start3A_88 = tpu.memref_squeeze %dma_start3A_87 : memref<1x16x2048xf32, #tpu.memory_space<hbm>> -> memref<16x2048xf32, #tpu.memory_space<hbm>>
    %dma_start3A_89 = arith.constant 0 : i32
    %dma_start3A_90 = tpu.memref_slice %arg4[%select_n3A, %add3A_85, %dma_start3A_89] : memref<4x4096x2048xf32, #tpu.memory_space<hbm>> -> memref<1x16x2048xf32, #tpu.memory_space<hbm>>
    %dma_start3A_91 = tpu.memref_squeeze %dma_start3A_90 : memref<1x16x2048xf32, #tpu.memory_space<hbm>> -> memref<16x2048xf32, #tpu.memory_space<hbm>>
    tpu.enqueue_dma source(%arg7 : memref<16x2048xf32, #tpu.memory_space<vmem>>) target(%dma_start3A_91 : memref<16x2048xf32, #tpu.memory_space<hbm>>) target_semaphore(%arg13 : memref<!tpu.dma_semaphore, #tpu.memory_space<semaphore_mem>>)
    %add3A_92 = arith.constant 0 : i32
    %add3A_93 = arith.addi %mul3A_32, %add3A_92 : i32
    %dma_wait3A_94 = arith.constant 0 : i32
    %dma_wait3A_95 = tpu.memref_slice %arg4[%select_n3A, %add3A_93, %dma_wait3A_94] : memref<4x4096x2048xf32, #tpu.memory_space<hbm>> -> memref<1x16x2048xf32, #tpu.memory_space<hbm>>
    %dma_wait3A_96 = tpu.memref_squeeze %dma_wait3A_95 : memref<1x16x2048xf32, #tpu.memory_space<hbm>> -> memref<16x2048xf32, #tpu.memory_space<hbm>>
    %dma_wait3A_97 = arith.constant 0 : i32
    %dma_wait3A_98 = tpu.memref_slice %arg4[%select_n3A, %add3A_93, %dma_wait3A_97] : memref<4x4096x2048xf32, #tpu.memory_space<hbm>> -> memref<1x16x2048xf32, #tpu.memory_space<hbm>>
    %dma_wait3A_99 = tpu.memref_squeeze %dma_wait3A_98 : memref<1x16x2048xf32, #tpu.memory_space<hbm>> -> memref<16x2048xf32, #tpu.memory_space<hbm>>
    tpu.wait_dma2 semaphore(%arg12 : memref<!tpu.dma_semaphore, #tpu.memory_space<semaphore_mem>>) src(%arg6 : memref<16x2048xf32, #tpu.memory_space<vmem>>) dst(%dma_wait3A_99 : memref<16x2048xf32, #tpu.memory_space<hbm>>)
    %dma_start3A_100 = arith.constant 48 : i32
    %dma_start3A_101 = tpu.memref_slice %arg5[%dma_start3A_100] : memref<512xi32, #tpu.memory_space<vmem>> -> memref<16xi32, #tpu.memory_space<vmem>>
    %dma_start3A_102 = arith.constant 0 : i32
    %dma_start3A_103 = arith.constant 0 : i32
    %dma_start3A_104 = tpu.memref_slice %arg2[%select_n3A, %dma_start3A_102, %dma_start3A_103] : memref<4x8192x2048xf32, #tpu.memory_space<hbm>> -> memref<1x8192x2048xf32, #tpu.memory_space<hbm>>
    %dma_start3A_105 = tpu.memref_squeeze %dma_start3A_104 : memref<1x8192x2048xf32, #tpu.memory_space<hbm>> -> memref<8192x2048xf32, #tpu.memory_space<hbm>>
    %dma_start3A_106 = arith.constant 0 : i32
    %dma_start3A_107 = arith.constant 0 : i32
    %dma_start3A_108 = tpu.memref_slice %dma_start3A_105[%dma_start3A_106, %dma_start3A_107] : memref<8192x2048xf32, #tpu.memory_space<hbm>> -> memref<8192x2048xf32, #tpu.memory_space<hbm>>
    tpu.enqueue_indirect_dma source(%dma_start3A_108 : memref<8192x2048xf32, #tpu.memory_space<hbm>>) target(%arg6 : memref<16x2048xf32, #tpu.memory_space<vmem>>) offsets(%dma_start3A_101 : memref<16xi32, #tpu.memory_space<vmem>>) semaphore(%arg9 : memref<!tpu.dma_semaphore, #tpu.memory_space<semaphore_mem>>)
    %scan3A = arith.constant 0 : i32
    %scan3A_109 = arith.constant 9 : i32
    %scan3A_110 = arith.addi %scan3A, %scan3A_109 : i32
    %scan3A_111 = arith.constant 1 : i32
    scf.for %scan3A_205 = %scan3A to %scan3A_110 step %scan3A_111  : i32 {
      %mul3A_206 = arith.constant 3 : i32
      %mul3A_207 = arith.muli %scan3A_205, %mul3A_206 : i32
      %add3A_208 = arith.constant 2 : i32
      %add3A_209 = arith.addi %add3A_208, %mul3A_207 : i32
      %add3A_210 = arith.constant 0 : i32
      %add3A_211 = arith.addi %add3A_209, %add3A_210 : i32
      %mul3A_212 = arith.constant 16 : i32
      %mul3A_213 = arith.muli %add3A_211, %mul3A_212 : i32
      %dma_wait3A_214 = tpu.memref_slice %arg5[%mul3A_213] : memref<512xi32, #tpu.memory_space<vmem>> -> memref<16xi32, #tpu.memory_space<vmem>>
      %dma_wait3A_215 = arith.constant 0 : i32
      %dma_wait3A_216 = arith.constant 0 : i32
      %dma_wait3A_217 = tpu.memref_slice %arg2[%select_n3A, %dma_wait3A_215, %dma_wait3A_216] : memref<4x8192x2048xf32, #tpu.memory_space<hbm>> -> memref<1x8192x2048xf32, #tpu.memory_space<hbm>>
      %dma_wait3A_218 = tpu.memref_squeeze %dma_wait3A_217 : memref<1x8192x2048xf32, #tpu.memory_space<hbm>> -> memref<8192x2048xf32, #tpu.memory_space<hbm>>
      %dma_wait3A_219 = arith.constant 0 : i32
      %dma_wait3A_220 = arith.constant 0 : i32
      %dma_wait3A_221 = tpu.memref_slice %dma_wait3A_218[%dma_wait3A_219, %dma_wait3A_220] : memref<8192x2048xf32, #tpu.memory_space<hbm>> -> memref<8192x2048xf32, #tpu.memory_space<hbm>>
      tpu.wait_indirect_dma semaphore(%arg11 : memref<!tpu.dma_semaphore, #tpu.memory_space<semaphore_mem>>) src(%dma_wait3A_221 : memref<8192x2048xf32, #tpu.memory_space<hbm>>) dst(%arg8 : memref<16x2048xf32, #tpu.memory_space<vmem>>)
      %mul3A_222 = arith.constant 16 : i32
      %mul3A_223 = arith.muli %add3A_211, %mul3A_222 : i32
      %add3A_224 = arith.addi %mul3A_32, %mul3A_223 : i32
      %dma_start3A_225 = arith.constant 0 : i32
      %dma_start3A_226 = tpu.memref_slice %arg4[%select_n3A, %add3A_224, %dma_start3A_225] : memref<4x4096x2048xf32, #tpu.memory_space<hbm>> -> memref<1x16x2048xf32, #tpu.memory_space<hbm>>
      %dma_start3A_227 = tpu.memref_squeeze %dma_start3A_226 : memref<1x16x2048xf32, #tpu.memory_space<hbm>> -> memref<16x2048xf32, #tpu.memory_space<hbm>>
      %dma_start3A_228 = arith.constant 0 : i32
      %dma_start3A_229 = tpu.memref_slice %arg4[%select_n3A, %add3A_224, %dma_start3A_228] : memref<4x4096x2048xf32, #tpu.memory_space<hbm>> -> memref<1x16x2048xf32, #tpu.memory_space<hbm>>
      %dma_start3A_230 = tpu.memref_squeeze %dma_start3A_229 : memref<1x16x2048xf32, #tpu.memory_space<hbm>> -> memref<16x2048xf32, #tpu.memory_space<hbm>>
      tpu.enqueue_dma source(%arg8 : memref<16x2048xf32, #tpu.memory_space<vmem>>) target(%dma_start3A_230 : memref<16x2048xf32, #tpu.memory_space<hbm>>) target_semaphore(%arg14 : memref<!tpu.dma_semaphore, #tpu.memory_space<semaphore_mem>>)
      %sub3A_231 = arith.constant 1 : i32
      %sub3A_232 = arith.subi %add3A_211, %sub3A_231 : i32
      %mul3A_233 = arith.constant 16 : i32
      %mul3A_234 = arith.muli %sub3A_232, %mul3A_233 : i32
      %add3A_235 = arith.addi %mul3A_32, %mul3A_234 : i32
      %dma_wait3A_236 = arith.constant 0 : i32
      %dma_wait3A_237 = tpu.memref_slice %arg4[%select_n3A, %add3A_235, %dma_wait3A_236] : memref<4x4096x2048xf32, #tpu.memory_space<hbm>> -> memref<1x16x2048xf32, #tpu.memory_space<hbm>>
      %dma_wait3A_238 = tpu.memref_squeeze %dma_wait3A_237 : memref<1x16x2048xf32, #tpu.memory_space<hbm>> -> memref<16x2048xf32, #tpu.memory_space<hbm>>
      %dma_wait3A_239 = arith.constant 0 : i32
      %dma_wait3A_240 = tpu.memref_slice %arg4[%select_n3A, %add3A_235, %dma_wait3A_239] : memref<4x4096x2048xf32, #tpu.memory_space<hbm>> -> memref<1x16x2048xf32, #tpu.memory_space<hbm>>
      %dma_wait3A_241 = tpu.memref_squeeze %dma_wait3A_240 : memref<1x16x2048xf32, #tpu.memory_space<hbm>> -> memref<16x2048xf32, #tpu.memory_space<hbm>>
      tpu.wait_dma2 semaphore(%arg13 : memref<!tpu.dma_semaphore, #tpu.memory_space<semaphore_mem>>) src(%arg7 : memref<16x2048xf32, #tpu.memory_space<vmem>>) dst(%dma_wait3A_241 : memref<16x2048xf32, #tpu.memory_space<hbm>>)
      %add3A_242 = arith.constant 2 : i32
      %add3A_243 = arith.addi %add3A_211, %add3A_242 : i32
      %mul3A_244 = arith.constant 16 : i32
      %mul3A_245 = arith.muli %add3A_243, %mul3A_244 : i32
      %dma_start3A_246 = tpu.memref_slice %arg5[%mul3A_245] : memref<512xi32, #tpu.memory_space<vmem>> -> memref<16xi32, #tpu.memory_space<vmem>>
      %dma_start3A_247 = arith.constant 0 : i32
      %dma_start3A_248 = arith.constant 0 : i32
      %dma_start3A_249 = tpu.memref_slice %arg2[%select_n3A, %dma_start3A_247, %dma_start3A_248] : memref<4x8192x2048xf32, #tpu.memory_space<hbm>> -> memref<1x8192x2048xf32, #tpu.memory_space<hbm>>
      %dma_start3A_250 = tpu.memref_squeeze %dma_start3A_249 : memref<1x8192x2048xf32, #tpu.memory_space<hbm>> -> memref<8192x2048xf32, #tpu.memory_space<hbm>>
      %dma_start3A_251 = arith.constant 0 : i32
      %dma_start3A_252 = arith.constant 0 : i32
      %dma_start3A_253 = tpu.memref_slice %dma_start3A_250[%dma_start3A_251, %dma_start3A_252] : memref<8192x2048xf32, #tpu.memory_space<hbm>> -> memref<8192x2048xf32, #tpu.memory_space<hbm>>
      tpu.enqueue_indirect_dma source(%dma_start3A_253 : memref<8192x2048xf32, #tpu.memory_space<hbm>>) target(%arg7 : memref<16x2048xf32, #tpu.memory_space<vmem>>) offsets(%dma_start3A_246 : memref<16xi32, #tpu.memory_space<vmem>>) semaphore(%arg10 : memref<!tpu.dma_semaphore, #tpu.memory_space<semaphore_mem>>)
      %add3A_254 = arith.constant 1 : i32
      %add3A_255 = arith.addi %add3A_209, %add3A_254 : i32
      %mul3A_256 = arith.constant 16 : i32
      %mul3A_257 = arith.muli %add3A_255, %mul3A_256 : i32
      %dma_wait3A_258 = tpu.memref_slice %arg5[%mul3A_257] : memref<512xi32, #tpu.memory_space<vmem>> -> memref<16xi32, #tpu.memory_space<vmem>>
      %dma_wait3A_259 = arith.constant 0 : i32
      %dma_wait3A_260 = arith.constant 0 : i32
      %dma_wait3A_261 = tpu.memref_slice %arg2[%select_n3A, %dma_wait3A_259, %dma_wait3A_260] : memref<4x8192x2048xf32, #tpu.memory_space<hbm>> -> memref<1x8192x2048xf32, #tpu.memory_space<hbm>>
      %dma_wait3A_262 = tpu.memref_squeeze %dma_wait3A_261 : memref<1x8192x2048xf32, #tpu.memory_space<hbm>> -> memref<8192x2048xf32, #tpu.memory_space<hbm>>
      %dma_wait3A_263 = arith.constant 0 : i32
      %dma_wait3A_264 = arith.constant 0 : i32
      %dma_wait3A_265 = tpu.memref_slice %dma_wait3A_262[%dma_wait3A_263, %dma_wait3A_264] : memref<8192x2048xf32, #tpu.memory_space<hbm>> -> memref<8192x2048xf32, #tpu.memory_space<hbm>>
      tpu.wait_indirect_dma semaphore(%arg9 : memref<!tpu.dma_semaphore, #tpu.memory_space<semaphore_mem>>) src(%dma_wait3A_265 : memref<8192x2048xf32, #tpu.memory_space<hbm>>) dst(%arg6 : memref<16x2048xf32, #tpu.memory_space<vmem>>)
      %mul3A_266 = arith.constant 16 : i32
      %mul3A_267 = arith.muli %add3A_255, %mul3A_266 : i32
      %add3A_268 = arith.addi %mul3A_32, %mul3A_267 : i32
      %dma_start3A_269 = arith.constant 0 : i32
      %dma_start3A_270 = tpu.memref_slice %arg4[%select_n3A, %add3A_268, %dma_start3A_269] : memref<4x4096x2048xf32, #tpu.memory_space<hbm>> -> memref<1x16x2048xf32, #tpu.memory_space<hbm>>
      %dma_start3A_271 = tpu.memref_squeeze %dma_start3A_270 : memref<1x16x2048xf32, #tpu.memory_space<hbm>> -> memref<16x2048xf32, #tpu.memory_space<hbm>>
      %dma_start3A_272 = arith.constant 0 : i32
      %dma_start3A_273 = tpu.memref_slice %arg4[%select_n3A, %add3A_268, %dma_start3A_272] : memref<4x4096x2048xf32, #tpu.memory_space<hbm>> -> memref<1x16x2048xf32, #tpu.memory_space<hbm>>
      %dma_start3A_274 = tpu.memref_squeeze %dma_start3A_273 : memref<1x16x2048xf32, #tpu.memory_space<hbm>> -> memref<16x2048xf32, #tpu.memory_space<hbm>>
      tpu.enqueue_dma source(%arg6 : memref<16x2048xf32, #tpu.memory_space<vmem>>) target(%dma_start3A_274 : memref<16x2048xf32, #tpu.memory_space<hbm>>) target_semaphore(%arg12 : memref<!tpu.dma_semaphore, #tpu.memory_space<semaphore_mem>>)
      %sub3A_275 = arith.constant 1 : i32
      %sub3A_276 = arith.subi %add3A_255, %sub3A_275 : i32
      %mul3A_277 = arith.constant 16 : i32
      %mul3A_278 = arith.muli %sub3A_276, %mul3A_277 : i32
      %add3A_279 = arith.addi %mul3A_32, %mul3A_278 : i32
      %dma_wait3A_280 = arith.constant 0 : i32
      %dma_wait3A_281 = tpu.memref_slice %arg4[%select_n3A, %add3A_279, %dma_wait3A_280] : memref<4x4096x2048xf32, #tpu.memory_space<hbm>> -> memref<1x16x2048xf32, #tpu.memory_space<hbm>>
      %dma_wait3A_282 = tpu.memref_squeeze %dma_wait3A_281 : memref<1x16x2048xf32, #tpu.memory_space<hbm>> -> memref<16x2048xf32, #tpu.memory_space<hbm>>
      %dma_wait3A_283 = arith.constant 0 : i32
      %dma_wait3A_284 = tpu.memref_slice %arg4[%select_n3A, %add3A_279, %dma_wait3A_283] : memref<4x4096x2048xf32, #tpu.memory_space<hbm>> -> memref<1x16x2048xf32, #tpu.memory_space<hbm>>
      %dma_wait3A_285 = tpu.memref_squeeze %dma_wait3A_284 : memref<1x16x2048xf32, #tpu.memory_space<hbm>> -> memref<16x2048xf32, #tpu.memory_space<hbm>>
      tpu.wait_dma2 semaphore(%arg14 : memref<!tpu.dma_semaphore, #tpu.memory_space<semaphore_mem>>) src(%arg8 : memref<16x2048xf32, #tpu.memory_space<vmem>>) dst(%dma_wait3A_285 : memref<16x2048xf32, #tpu.memory_space<hbm>>)
      %add3A_286 = arith.constant 2 : i32
      %add3A_287 = arith.addi %add3A_255, %add3A_286 : i32
      %mul3A_288 = arith.constant 16 : i32
      %mul3A_289 = arith.muli %add3A_287, %mul3A_288 : i32
      %dma_start3A_290 = tpu.memref_slice %arg5[%mul3A_289] : memref<512xi32, #tpu.memory_space<vmem>> -> memref<16xi32, #tpu.memory_space<vmem>>
      %dma_start3A_291 = arith.constant 0 : i32
      %dma_start3A_292 = arith.constant 0 : i32
      %dma_start3A_293 = tpu.memref_slice %arg2[%select_n3A, %dma_start3A_291, %dma_start3A_292] : memref<4x8192x2048xf32, #tpu.memory_space<hbm>> -> memref<1x8192x2048xf32, #tpu.memory_space<hbm>>
      %dma_start3A_294 = tpu.memref_squeeze %dma_start3A_293 : memref<1x8192x2048xf32, #tpu.memory_space<hbm>> -> memref<8192x2048xf32, #tpu.memory_space<hbm>>
      %dma_start3A_295 = arith.constant 0 : i32
      %dma_start3A_296 = arith.constant 0 : i32
      %dma_start3A_297 = tpu.memref_slice %dma_start3A_294[%dma_start3A_295, %dma_start3A_296] : memref<8192x2048xf32, #tpu.memory_space<hbm>> -> memref<8192x2048xf32, #tpu.memory_space<hbm>>
      tpu.enqueue_indirect_dma source(%dma_start3A_297 : memref<8192x2048xf32, #tpu.memory_space<hbm>>) target(%arg8 : memref<16x2048xf32, #tpu.memory_space<vmem>>) offsets(%dma_start3A_290 : memref<16xi32, #tpu.memory_space<vmem>>) semaphore(%arg11 : memref<!tpu.dma_semaphore, #tpu.memory_space<semaphore_mem>>)
      %add3A_298 = arith.constant 2 : i32
      %add3A_299 = arith.addi %add3A_209, %add3A_298 : i32
      %mul3A_300 = arith.constant 16 : i32
      %mul3A_301 = arith.muli %add3A_299, %mul3A_300 : i32
      %dma_wait3A_302 = tpu.memref_slice %arg5[%mul3A_301] : memref<512xi32, #tpu.memory_space<vmem>> -> memref<16xi32, #tpu.memory_space<vmem>>
      %dma_wait3A_303 = arith.constant 0 : i32
      %dma_wait3A_304 = arith.constant 0 : i32
      %dma_wait3A_305 = tpu.memref_slice %arg2[%select_n3A, %dma_wait3A_303, %dma_wait3A_304] : memref<4x8192x2048xf32, #tpu.memory_space<hbm>> -> memref<1x8192x2048xf32, #tpu.memory_space<hbm>>
      %dma_wait3A_306 = tpu.memref_squeeze %dma_wait3A_305 : memref<1x8192x2048xf32, #tpu.memory_space<hbm>> -> memref<8192x2048xf32, #tpu.memory_space<hbm>>
      %dma_wait3A_307 = arith.constant 0 : i32
      %dma_wait3A_308 = arith.constant 0 : i32
      %dma_wait3A_309 = tpu.memref_slice %dma_wait3A_306[%dma_wait3A_307, %dma_wait3A_308] : memref<8192x2048xf32, #tpu.memory_space<hbm>> -> memref<8192x2048xf32, #tpu.memory_space<hbm>>
      tpu.wait_indirect_dma semaphore(%arg10 : memref<!tpu.dma_semaphore, #tpu.memory_space<semaphore_mem>>) src(%dma_wait3A_309 : memref<8192x2048xf32, #tpu.memory_space<hbm>>) dst(%arg7 : memref<16x2048xf32, #tpu.memory_space<vmem>>)
      %mul3A_310 = arith.constant 16 : i32
      %mul3A_311 = arith.muli %add3A_299, %mul3A_310 : i32
      %add3A_312 = arith.addi %mul3A_32, %mul3A_311 : i32
      %dma_start3A_313 = arith.constant 0 : i32
      %dma_start3A_314 = tpu.memref_slice %arg4[%select_n3A, %add3A_312, %dma_start3A_313] : memref<4x4096x2048xf32, #tpu.memory_space<hbm>> -> memref<1x16x2048xf32, #tpu.memory_space<hbm>>
      %dma_start3A_315 = tpu.memref_squeeze %dma_start3A_314 : memref<1x16x2048xf32, #tpu.memory_space<hbm>> -> memref<16x2048xf32, #tpu.memory_space<hbm>>
      %dma_start3A_316 = arith.constant 0 : i32
      %dma_start3A_317 = tpu.memref_slice %arg4[%select_n3A, %add3A_312, %dma_start3A_316] : memref<4x4096x2048xf32, #tpu.memory_space<hbm>> -> memref<1x16x2048xf32, #tpu.memory_space<hbm>>
      %dma_start3A_318 = tpu.memref_squeeze %dma_start3A_317 : memref<1x16x2048xf32, #tpu.memory_space<hbm>> -> memref<16x2048xf32, #tpu.memory_space<hbm>>
      tpu.enqueue_dma source(%arg7 : memref<16x2048xf32, #tpu.memory_space<vmem>>) target(%dma_start3A_318 : memref<16x2048xf32, #tpu.memory_space<hbm>>) target_semaphore(%arg13 : memref<!tpu.dma_semaphore, #tpu.memory_space<semaphore_mem>>)
      %sub3A_319 = arith.constant 1 : i32
      %sub3A_320 = arith.subi %add3A_299, %sub3A_319 : i32
      %mul3A_321 = arith.constant 16 : i32
      %mul3A_322 = arith.muli %sub3A_320, %mul3A_321 : i32
      %add3A_323 = arith.addi %mul3A_32, %mul3A_322 : i32
      %dma_wait3A_324 = arith.constant 0 : i32
      %dma_wait3A_325 = tpu.memref_slice %arg4[%select_n3A, %add3A_323, %dma_wait3A_324] : memref<4x4096x2048xf32, #tpu.memory_space<hbm>> -> memref<1x16x2048xf32, #tpu.memory_space<hbm>>
      %dma_wait3A_326 = tpu.memref_squeeze %dma_wait3A_325 : memref<1x16x2048xf32, #tpu.memory_space<hbm>> -> memref<16x2048xf32, #tpu.memory_space<hbm>>
      %dma_wait3A_327 = arith.constant 0 : i32
      %dma_wait3A_328 = tpu.memref_slice %arg4[%select_n3A, %add3A_323, %dma_wait3A_327] : memref<4x4096x2048xf32, #tpu.memory_space<hbm>> -> memref<1x16x2048xf32, #tpu.memory_space<hbm>>
      %dma_wait3A_329 = tpu.memref_squeeze %dma_wait3A_328 : memref<1x16x2048xf32, #tpu.memory_space<hbm>> -> memref<16x2048xf32, #tpu.memory_space<hbm>>
      tpu.wait_dma2 semaphore(%arg12 : memref<!tpu.dma_semaphore, #tpu.memory_space<semaphore_mem>>) src(%arg6 : memref<16x2048xf32, #tpu.memory_space<vmem>>) dst(%dma_wait3A_329 : memref<16x2048xf32, #tpu.memory_space<hbm>>)
      %add3A_330 = arith.constant 2 : i32
      %add3A_331 = arith.addi %add3A_299, %add3A_330 : i32
      %mul3A_332 = arith.constant 16 : i32
      %mul3A_333 = arith.muli %add3A_331, %mul3A_332 : i32
      %dma_start3A_334 = tpu.memref_slice %arg5[%mul3A_333] : memref<512xi32, #tpu.memory_space<vmem>> -> memref<16xi32, #tpu.memory_space<vmem>>
      %dma_start3A_335 = arith.constant 0 : i32
      %dma_start3A_336 = arith.constant 0 : i32
      %dma_start3A_337 = tpu.memref_slice %arg2[%select_n3A, %dma_start3A_335, %dma_start3A_336] : memref<4x8192x2048xf32, #tpu.memory_space<hbm>> -> memref<1x8192x2048xf32, #tpu.memory_space<hbm>>
      %dma_start3A_338 = tpu.memref_squeeze %dma_start3A_337 : memref<1x8192x2048xf32, #tpu.memory_space<hbm>> -> memref<8192x2048xf32, #tpu.memory_space<hbm>>
      %dma_start3A_339 = arith.constant 0 : i32
      %dma_start3A_340 = arith.constant 0 : i32
      %dma_start3A_341 = tpu.memref_slice %dma_start3A_338[%dma_start3A_339, %dma_start3A_340] : memref<8192x2048xf32, #tpu.memory_space<hbm>> -> memref<8192x2048xf32, #tpu.memory_space<hbm>>
      tpu.enqueue_indirect_dma source(%dma_start3A_341 : memref<8192x2048xf32, #tpu.memory_space<hbm>>) target(%arg6 : memref<16x2048xf32, #tpu.memory_space<vmem>>) offsets(%dma_start3A_334 : memref<16xi32, #tpu.memory_space<vmem>>) semaphore(%arg9 : memref<!tpu.dma_semaphore, #tpu.memory_space<semaphore_mem>>)
    }
    %scan3A_112 = arith.constant 9 : i32
    %dma_wait3A_113 = arith.constant 464 : i32
    %dma_wait3A_114 = tpu.memref_slice %arg5[%dma_wait3A_113] : memref<512xi32, #tpu.memory_space<vmem>> -> memref<16xi32, #tpu.memory_space<vmem>>
    %dma_wait3A_115 = arith.constant 0 : i32
    %dma_wait3A_116 = arith.constant 0 : i32
    %dma_wait3A_117 = tpu.memref_slice %arg2[%select_n3A, %dma_wait3A_115, %dma_wait3A_116] : memref<4x8192x2048xf32, #tpu.memory_space<hbm>> -> memref<1x8192x2048xf32, #tpu.memory_space<hbm>>
    %dma_wait3A_118 = tpu.memref_squeeze %dma_wait3A_117 : memref<1x8192x2048xf32, #tpu.memory_space<hbm>> -> memref<8192x2048xf32, #tpu.memory_space<hbm>>
    %dma_wait3A_119 = arith.constant 0 : i32
    %dma_wait3A_120 = arith.constant 0 : i32
    %dma_wait3A_121 = tpu.memref_slice %dma_wait3A_118[%dma_wait3A_119, %dma_wait3A_120] : memref<8192x2048xf32, #tpu.memory_space<hbm>> -> memref<8192x2048xf32, #tpu.memory_space<hbm>>
    tpu.wait_indirect_dma semaphore(%arg11 : memref<!tpu.dma_semaphore, #tpu.memory_space<semaphore_mem>>) src(%dma_wait3A_121 : memref<8192x2048xf32, #tpu.memory_space<hbm>>) dst(%arg8 : memref<16x2048xf32, #tpu.memory_space<vmem>>)
    %add3A_122 = arith.constant 464 : i32
    %add3A_123 = arith.addi %mul3A_32, %add3A_122 : i32
    %dma_start3A_124 = arith.constant 0 : i32
    %dma_start3A_125 = tpu.memref_slice %arg4[%select_n3A, %add3A_123, %dma_start3A_124] : memref<4x4096x2048xf32, #tpu.memory_space<hbm>> -> memref<1x16x2048xf32, #tpu.memory_space<hbm>>
    %dma_start3A_126 = tpu.memref_squeeze %dma_start3A_125 : memref<1x16x2048xf32, #tpu.memory_space<hbm>> -> memref<16x2048xf32, #tpu.memory_space<hbm>>
    %dma_start3A_127 = arith.constant 0 : i32
    %dma_start3A_128 = tpu.memref_slice %arg4[%select_n3A, %add3A_123, %dma_start3A_127] : memref<4x4096x2048xf32, #tpu.memory_space<hbm>> -> memref<1x16x2048xf32, #tpu.memory_space<hbm>>
    %dma_start3A_129 = tpu.memref_squeeze %dma_start3A_128 : memref<1x16x2048xf32, #tpu.memory_space<hbm>> -> memref<16x2048xf32, #tpu.memory_space<hbm>>
    tpu.enqueue_dma source(%arg8 : memref<16x2048xf32, #tpu.memory_space<vmem>>) target(%dma_start3A_129 : memref<16x2048xf32, #tpu.memory_space<hbm>>) target_semaphore(%arg14 : memref<!tpu.dma_semaphore, #tpu.memory_space<semaphore_mem>>)
    %add3A_130 = arith.constant 448 : i32
    %add3A_131 = arith.addi %mul3A_32, %add3A_130 : i32
    %dma_wait3A_132 = arith.constant 0 : i32
    %dma_wait3A_133 = tpu.memref_slice %arg4[%select_n3A, %add3A_131, %dma_wait3A_132] : memref<4x4096x2048xf32, #tpu.memory_space<hbm>> -> memref<1x16x2048xf32, #tpu.memory_space<hbm>>
    %dma_wait3A_134 = tpu.memref_squeeze %dma_wait3A_133 : memref<1x16x2048xf32, #tpu.memory_space<hbm>> -> memref<16x2048xf32, #tpu.memory_space<hbm>>
    %dma_wait3A_135 = arith.constant 0 : i32
    %dma_wait3A_136 = tpu.memref_slice %arg4[%select_n3A, %add3A_131, %dma_wait3A_135] : memref<4x4096x2048xf32, #tpu.memory_space<hbm>> -> memref<1x16x2048xf32, #tpu.memory_space<hbm>>
    %dma_wait3A_137 = tpu.memref_squeeze %dma_wait3A_136 : memref<1x16x2048xf32, #tpu.memory_space<hbm>> -> memref<16x2048xf32, #tpu.memory_space<hbm>>
    tpu.wait_dma2 semaphore(%arg13 : memref<!tpu.dma_semaphore, #tpu.memory_space<semaphore_mem>>) src(%arg7 : memref<16x2048xf32, #tpu.memory_space<vmem>>) dst(%dma_wait3A_137 : memref<16x2048xf32, #tpu.memory_space<hbm>>)
    %dma_start3A_138 = arith.constant 496 : i32
    %dma_start3A_139 = tpu.memref_slice %arg5[%dma_start3A_138] : memref<512xi32, #tpu.memory_space<vmem>> -> memref<16xi32, #tpu.memory_space<vmem>>
    %dma_start3A_140 = arith.constant 0 : i32
    %dma_start3A_141 = arith.constant 0 : i32
    %dma_start3A_142 = tpu.memref_slice %arg2[%select_n3A, %dma_start3A_140, %dma_start3A_141] : memref<4x8192x2048xf32, #tpu.memory_space<hbm>> -> memref<1x8192x2048xf32, #tpu.memory_space<hbm>>
    %dma_start3A_143 = tpu.memref_squeeze %dma_start3A_142 : memref<1x8192x2048xf32, #tpu.memory_space<hbm>> -> memref<8192x2048xf32, #tpu.memory_space<hbm>>
    %dma_start3A_144 = arith.constant 0 : i32
    %dma_start3A_145 = arith.constant 0 : i32
    %dma_start3A_146 = tpu.memref_slice %dma_start3A_143[%dma_start3A_144, %dma_start3A_145] : memref<8192x2048xf32, #tpu.memory_space<hbm>> -> memref<8192x2048xf32, #tpu.memory_space<hbm>>
    tpu.enqueue_indirect_dma source(%dma_start3A_146 : memref<8192x2048xf32, #tpu.memory_space<hbm>>) target(%arg7 : memref<16x2048xf32, #tpu.memory_space<vmem>>) offsets(%dma_start3A_139 : memref<16xi32, #tpu.memory_space<vmem>>) semaphore(%arg10 : memref<!tpu.dma_semaphore, #tpu.memory_space<semaphore_mem>>)
    %dma_wait3A_147 = arith.constant 480 : i32
    %dma_wait3A_148 = tpu.memref_slice %arg5[%dma_wait3A_147] : memref<512xi32, #tpu.memory_space<vmem>> -> memref<16xi32, #tpu.memory_space<vmem>>
    %dma_wait3A_149 = arith.constant 0 : i32
    %dma_wait3A_150 = arith.constant 0 : i32
    %dma_wait3A_151 = tpu.memref_slice %arg2[%select_n3A, %dma_wait3A_149, %dma_wait3A_150] : memref<4x8192x2048xf32, #tpu.memory_space<hbm>> -> memref<1x8192x2048xf32, #tpu.memory_space<hbm>>
    %dma_wait3A_152 = tpu.memref_squeeze %dma_wait3A_151 : memref<1x8192x2048xf32, #tpu.memory_space<hbm>> -> memref<8192x2048xf32, #tpu.memory_space<hbm>>
    %dma_wait3A_153 = arith.constant 0 : i32
    %dma_wait3A_154 = arith.constant 0 : i32
    %dma_wait3A_155 = tpu.memref_slice %dma_wait3A_152[%dma_wait3A_153, %dma_wait3A_154] : memref<8192x2048xf32, #tpu.memory_space<hbm>> -> memref<8192x2048xf32, #tpu.memory_space<hbm>>
    tpu.wait_indirect_dma semaphore(%arg9 : memref<!tpu.dma_semaphore, #tpu.memory_space<semaphore_mem>>) src(%dma_wait3A_155 : memref<8192x2048xf32, #tpu.memory_space<hbm>>) dst(%arg6 : memref<16x2048xf32, #tpu.memory_space<vmem>>)
    %add3A_156 = arith.constant 480 : i32
    %add3A_157 = arith.addi %mul3A_32, %add3A_156 : i32
    %dma_start3A_158 = arith.constant 0 : i32
    %dma_start3A_159 = tpu.memref_slice %arg4[%select_n3A, %add3A_157, %dma_start3A_158] : memref<4x4096x2048xf32, #tpu.memory_space<hbm>> -> memref<1x16x2048xf32, #tpu.memory_space<hbm>>
    %dma_start3A_160 = tpu.memref_squeeze %dma_start3A_159 : memref<1x16x2048xf32, #tpu.memory_space<hbm>> -> memref<16x2048xf32, #tpu.memory_space<hbm>>
    %dma_start3A_161 = arith.constant 0 : i32
    %dma_start3A_162 = tpu.memref_slice %arg4[%select_n3A, %add3A_157, %dma_start3A_161] : memref<4x4096x2048xf32, #tpu.memory_space<hbm>> -> memref<1x16x2048xf32, #tpu.memory_space<hbm>>
    %dma_start3A_163 = tpu.memref_squeeze %dma_start3A_162 : memref<1x16x2048xf32, #tpu.memory_space<hbm>> -> memref<16x2048xf32, #tpu.memory_space<hbm>>
    tpu.enqueue_dma source(%arg6 : memref<16x2048xf32, #tpu.memory_space<vmem>>) target(%dma_start3A_163 : memref<16x2048xf32, #tpu.memory_space<hbm>>) target_semaphore(%arg12 : memref<!tpu.dma_semaphore, #tpu.memory_space<semaphore_mem>>)
    %add3A_164 = arith.constant 464 : i32
    %add3A_165 = arith.addi %mul3A_32, %add3A_164 : i32
    %dma_wait3A_166 = arith.constant 0 : i32
    %dma_wait3A_167 = tpu.memref_slice %arg4[%select_n3A, %add3A_165, %dma_wait3A_166] : memref<4x4096x2048xf32, #tpu.memory_space<hbm>> -> memref<1x16x2048xf32, #tpu.memory_space<hbm>>
    %dma_wait3A_168 = tpu.memref_squeeze %dma_wait3A_167 : memref<1x16x2048xf32, #tpu.memory_space<hbm>> -> memref<16x2048xf32, #tpu.memory_space<hbm>>
    %dma_wait3A_169 = arith.constant 0 : i32
    %dma_wait3A_170 = tpu.memref_slice %arg4[%select_n3A, %add3A_165, %dma_wait3A_169] : memref<4x4096x2048xf32, #tpu.memory_space<hbm>> -> memref<1x16x2048xf32, #tpu.memory_space<hbm>>
    %dma_wait3A_171 = tpu.memref_squeeze %dma_wait3A_170 : memref<1x16x2048xf32, #tpu.memory_space<hbm>> -> memref<16x2048xf32, #tpu.memory_space<hbm>>
    tpu.wait_dma2 semaphore(%arg14 : memref<!tpu.dma_semaphore, #tpu.memory_space<semaphore_mem>>) src(%arg8 : memref<16x2048xf32, #tpu.memory_space<vmem>>) dst(%dma_wait3A_171 : memref<16x2048xf32, #tpu.memory_space<hbm>>)
    %dma_wait3A_172 = arith.constant 496 : i32
    %dma_wait3A_173 = tpu.memref_slice %arg5[%dma_wait3A_172] : memref<512xi32, #tpu.memory_space<vmem>> -> memref<16xi32, #tpu.memory_space<vmem>>
    %dma_wait3A_174 = arith.constant 0 : i32
    %dma_wait3A_175 = arith.constant 0 : i32
    %dma_wait3A_176 = tpu.memref_slice %arg2[%select_n3A, %dma_wait3A_174, %dma_wait3A_175] : memref<4x8192x2048xf32, #tpu.memory_space<hbm>> -> memref<1x8192x2048xf32, #tpu.memory_space<hbm>>
    %dma_wait3A_177 = tpu.memref_squeeze %dma_wait3A_176 : memref<1x8192x2048xf32, #tpu.memory_space<hbm>> -> memref<8192x2048xf32, #tpu.memory_space<hbm>>
    %dma_wait3A_178 = arith.constant 0 : i32
    %dma_wait3A_179 = arith.constant 0 : i32
    %dma_wait3A_180 = tpu.memref_slice %dma_wait3A_177[%dma_wait3A_178, %dma_wait3A_179] : memref<8192x2048xf32, #tpu.memory_space<hbm>> -> memref<8192x2048xf32, #tpu.memory_space<hbm>>
    tpu.wait_indirect_dma semaphore(%arg10 : memref<!tpu.dma_semaphore, #tpu.memory_space<semaphore_mem>>) src(%dma_wait3A_180 : memref<8192x2048xf32, #tpu.memory_space<hbm>>) dst(%arg7 : memref<16x2048xf32, #tpu.memory_space<vmem>>)
    %add3A_181 = arith.constant 496 : i32
    %add3A_182 = arith.addi %mul3A_32, %add3A_181 : i32
    %dma_start3A_183 = arith.constant 0 : i32
    %dma_start3A_184 = tpu.memref_slice %arg4[%select_n3A, %add3A_182, %dma_start3A_183] : memref<4x4096x2048xf32, #tpu.memory_space<hbm>> -> memref<1x16x2048xf32, #tpu.memory_space<hbm>>
    %dma_start3A_185 = tpu.memref_squeeze %dma_start3A_184 : memref<1x16x2048xf32, #tpu.memory_space<hbm>> -> memref<16x2048xf32, #tpu.memory_space<hbm>>
    %dma_start3A_186 = arith.constant 0 : i32
    %dma_start3A_187 = tpu.memref_slice %arg4[%select_n3A, %add3A_182, %dma_start3A_186] : memref<4x4096x2048xf32, #tpu.memory_space<hbm>> -> memref<1x16x2048xf32, #tpu.memory_space<hbm>>
    %dma_start3A_188 = tpu.memref_squeeze %dma_start3A_187 : memref<1x16x2048xf32, #tpu.memory_space<hbm>> -> memref<16x2048xf32, #tpu.memory_space<hbm>>
    tpu.enqueue_dma source(%arg7 : memref<16x2048xf32, #tpu.memory_space<vmem>>) target(%dma_start3A_188 : memref<16x2048xf32, #tpu.memory_space<hbm>>) target_semaphore(%arg13 : memref<!tpu.dma_semaphore, #tpu.memory_space<semaphore_mem>>)
    %add3A_189 = arith.constant 480 : i32
    %add3A_190 = arith.addi %mul3A_32, %add3A_189 : i32
    %dma_wait3A_191 = arith.constant 0 : i32
    %dma_wait3A_192 = tpu.memref_slice %arg4[%select_n3A, %add3A_190, %dma_wait3A_191] : memref<4x4096x2048xf32, #tpu.memory_space<hbm>> -> memref<1x16x2048xf32, #tpu.memory_space<hbm>>
    %dma_wait3A_193 = tpu.memref_squeeze %dma_wait3A_192 : memref<1x16x2048xf32, #tpu.memory_space<hbm>> -> memref<16x2048xf32, #tpu.memory_space<hbm>>
    %dma_wait3A_194 = arith.constant 0 : i32
    %dma_wait3A_195 = tpu.memref_slice %arg4[%select_n3A, %add3A_190, %dma_wait3A_194] : memref<4x4096x2048xf32, #tpu.memory_space<hbm>> -> memref<1x16x2048xf32, #tpu.memory_space<hbm>>
    %dma_wait3A_196 = tpu.memref_squeeze %dma_wait3A_195 : memref<1x16x2048xf32, #tpu.memory_space<hbm>> -> memref<16x2048xf32, #tpu.memory_space<hbm>>
    tpu.wait_dma2 semaphore(%arg12 : memref<!tpu.dma_semaphore, #tpu.memory_space<semaphore_mem>>) src(%arg6 : memref<16x2048xf32, #tpu.memory_space<vmem>>) dst(%dma_wait3A_196 : memref<16x2048xf32, #tpu.memory_space<hbm>>)
    %add3A_197 = arith.constant 496 : i32
    %add3A_198 = arith.addi %mul3A_32, %add3A_197 : i32
    %dma_wait3A_199 = arith.constant 0 : i32
    %dma_wait3A_200 = tpu.memref_slice %arg4[%select_n3A, %add3A_198, %dma_wait3A_199] : memref<4x4096x2048xf32, #tpu.memory_space<hbm>> -> memref<1x16x2048xf32, #tpu.memory_space<hbm>>
    %dma_wait3A_201 = tpu.memref_squeeze %dma_wait3A_200 : memref<1x16x2048xf32, #tpu.memory_space<hbm>> -> memref<16x2048xf32, #tpu.memory_space<hbm>>
    %dma_wait3A_202 = arith.constant 0 : i32
    %dma_wait3A_203 = tpu.memref_slice %arg4[%select_n3A, %add3A_198, %dma_wait3A_202] : memref<4x4096x2048xf32, #tpu.memory_space<hbm>> -> memref<1x16x2048xf32, #tpu.memory_space<hbm>>
    %dma_wait3A_204 = tpu.memref_squeeze %dma_wait3A_203 : memref<1x16x2048xf32, #tpu.memory_space<hbm>> -> memref<16x2048xf32, #tpu.memory_space<hbm>>
    tpu.wait_dma2 semaphore(%arg13 : memref<!tpu.dma_semaphore, #tpu.memory_space<semaphore_mem>>) src(%arg7 : memref<16x2048xf32, #tpu.memory_space<vmem>>) dst(%dma_wait3A_204 : memref<16x2048xf32, #tpu.memory_space<hbm>>)
    return
  }
}

</mosaic_0001>

<sc_bundles>
// kernel: kernel.4.cloned.1.call-start
scs
__scs_entry_jumppad:
0x0: {  	(pc) =	sbr.rel $0x88, $3  }
0x1: {  	(tag) =	ssettag $0x0;
	lr =	simm.s32 $0x1  }
0x2: {  	[smem:$0x3FA0] =	sst lr;
	_ =	strace $0xD0000000  }
0x3: {  	_ = 	snop  }
0x4: {  	_ = 	snop  }
0x5: {  	_ = 	snop  }
0x6: {  	_ = 	snop  }
0x7: {  	_ = 	snop  }
__scs_overlays_trampoline_lowered:
0x8: {  	[smem:$0x3FAF] =	sst s0  }
0x9: {  	[smem:$0x3FB0] =	sst s1  }
0xa: {  	[smem:$0x3FB1] =	sst s2  }
0xb: {  	[smem:$0x3FB2] =	sst s3  }
0xc: {  	[smem:$0x3FB3] =	sst s4  }
0xd: {  	[smem:$0x3FB4] =	sst s5  }
0xe: {  	[smem:$0x3FB5] =	sst s6  }
0xf: {  	[smem:$0x3FB6] =	sst s7  }
0x10: {  	[smem:$0x3FB7] =	sst s8  }
0x11: {  	[smem:$0x3FB8] =	sst s9;
	s0 =	simm.s32 @!p0 $0x0  }
0x12: {  	s1 =	sld [smem:$0x3F9E];
	s0 =	simm.s32 @p0 $0x1  }
0x13: {  	[smem:$0x3FB9] =	sst s0;
	s0 =	simm.s32 @!p1 $0x0  }
0x14: {  	s2 =	sld [smem:$0x3F9D];
	s0 =	simm.s32 @p1 $0x1  }
0x15: {  	[smem:$0x3FBA] =	sst s0;
	s0 =	simm.s32 @!p2 $0x0  }
0x16: {  	s3 =	sld [smem:$0x3FDB];
	s0 =	simm.s32 @p2 $0x1  }
0x17: {  	s4 =	simm.s32 $0x1BF5;
	[smem:$0x3FBC] =	sst s0  }
0x18: {  	s0 =	sld [smem:$0x3F9F];
	_ =	swait.ge [sflag:s4], $0x0  }
0x19: {  	s7 =	sld [smem:$0x3FA0]  }
0x1a: {  	s8 =	sadd.s32 $0xFFFFE003, lr  }
0x1b: {  	s9 =	sadd.s32 $0xFFFFFEF7, lr;
	s5 =	simm.s32 $0xFFFFFFFF;
	p2 =	slt.u32 s8, $0xFFFFF086  }
0x1c: {  	p1 =	slt.u32 s9, $0xF7A;
	s5 =	simm.s32 @!p2 $0x0  }
0x1d: {  	s5 =	simm.s32 @p1 $0x1;
	p0 =	seq.s32 s7, s2  }
0x1e: {  	s7 =	smul.u32 @!p0 $0xF7A, s2;
	p2 =	seq.s32 @!p0 s5, $0x0  }
0x1f: {  	s9 =	smul.u32 $0xF7A, s1;
	s8 =	simm.s32 @!p0 $0x1BF5;
	p2 =	por !p2, p0  }
0x20: {  	[sflag:s8] =	ssyncset.s32 @!p0 $0xFFFFF086;
	s6 =	sadd.s32 @!p0 s3, s7;
	s7 =	simm.s32 @!p0 $0x108  }
0x21: {  	s3 =	sadd.s32 s3, s9;
	s6 =	sadd.s32 @!p0 $0x88, s6;
	s7 =	simm.s32 @p2 $0x1082  }
0x22: {  	[simem:s7], [sflag:s8] =	dma.local @!p0 [hbm:s6], $0xF7A  }
0x23: {  	s9 =	sor.u32 $0xD0000000, s2;
	s6 =	simm.s32 $0x108;
	_ =	swait.ge @!p0 [sflag:s8], $0x0  }
0x24: {  	s3 =	sadd.s32 $0x88, s3;
	s6 =	simm.s32 @!p1 $0x1082;
	[sflag:s4] =	ssyncset.s32 $0xFFFFF086  }
0x25: {  	[simem:s6], [sflag:s4] =	dma.local [hbm:s3], $0xF7A  }
0x26: {  	[smem:$0x3FA0] =	sst s1;
	(tag) =	ssettag s2;
	_ =	strace s9  }
0x27: {  	s1 =	sld [smem:$0x3FB0]  }
0x28: {  	s2 =	sld [smem:$0x3FB1]  }
0x29: {  	s4 =	sld [smem:$0x3FB3]  }
0x2a: {  	p0 =	seq.s32 s5, $0x0;
	s5 =	sld [smem:$0x3FB4]  }
0x2b: {  	s6 =	sld [smem:$0x3FB5]  }
0x2c: {  	s7 =	sld [smem:$0x3FB6]  }
0x2d: {  	s3 =	simm.s32 $0x108;
	s8 =	sld [smem:$0x3FB7]  }
0x2e: {  	s3 =	simm.s32 @!p0 $0x1082;
	s9 =	sld [smem:$0x3FB8]  }
0x2f: {  	lr =	sadd.s32 s0, s3;
	s0 =	sld [smem:$0x3FAF]  }
0x30: {  	s3 =	sld [smem:$0x3FB2]  }
0x31: {  	[smem:$0x3FBB] =	sst s10  }
0x32: {  	s10 =	sld [smem:$0x3FB9];
	_ =	sdelay $0x3  }
0x33: {  	p0 =	seq.s32 s10, $0x1;
	s10 =	sld [smem:$0x3FBB];
	_ =	sdelay $0x3  }
0x34: {  	[smem:$0x3FBB] =	sst s10  }
0x35: {  	s10 =	sld [smem:$0x3FBA];
	_ =	sdelay $0x3  }
0x36: {  	p1 =	seq.s32 s10, $0x1;
	s10 =	sld [smem:$0x3FBB];
	_ =	sdelay $0x3  }
0x37: {  	[smem:$0x3FBB] =	sst s10  }
0x38: {  	s10 =	sld [smem:$0x3FBC]  }
0x39: {  	_ = 	snop;
	(pc) =	sbr.ind lr, $3  }
0x3a: {  	_ = 	snop  }
0x3b: {  	_ = 	snop  }
0x3c: {  	p2 =	seq.s32 s10, $0x1;
	s10 =	sld [smem:$0x3FBB]  }
0x3d: {  	_ =	shalt  }
0x3e: {  	_ =	shalt  }
0x3f: {  	_ =	shalt  }
0x40: {  	_ =	shalt  }
0x41: {  	_ =	shalt  }
0x42: {  	_ =	shalt  }
0x43: {  	_ =	shalt  }
0x44: {  	_ =	shalt  }
0x45: {  	_ =	shalt  }
0x46: {  	_ =	shalt  }
0x47: {  	_ =	shalt  }
0x48: {  	_ =	shalt  }
0x49: {  	_ =	shalt  }
0x4a: {  	_ =	shalt  }
0x4b: {  	_ =	shalt  }
0x4c: {  	_ =	shalt  }
0x4d: {  	_ =	shalt  }
0x4e: {  	_ =	shalt  }
0x4f: {  	_ =	shalt  }
0x50: {  	_ =	shalt  }
0x51: {  	_ =	shalt  }
0x52: {  	_ =	shalt  }
0x53: {  	_ =	shalt  }
0x54: {  	_ =	shalt  }
0x55: {  	_ =	shalt  }
0x56: {  	_ =	shalt  }
0x57: {  	_ =	shalt  }
0x58: {  	_ =	shalt  }
0x59: {  	_ =	shalt  }
0x5a: {  	_ =	shalt  }
0x5b: {  	_ =	shalt  }
0x5c: {  	_ =	shalt  }
0x5d: {  	_ =	shalt  }
0x5e: {  	_ =	shalt  }
0x5f: {  	_ =	shalt  }
0x60: {  	_ =	shalt  }
0x61: {  	_ =	shalt  }
0x62: {  	_ =	shalt  }
0x63: {  	_ =	shalt  }
0x64: {  	_ =	shalt  }
0x65: {  	_ =	shalt  }
0x66: {  	_ =	shalt  }
0x67: {  	_ =	shalt  }
0x68: {  	_ =	shalt  }
0x69: {  	_ =	shalt  }
0x6a: {  	_ =	shalt  }
0x6b: {  	_ =	shalt  }
0x6c: {  	_ =	shalt  }
0x6d: {  	_ =	shalt  }
0x6e: {  	_ =	shalt  }
0x6f: {  	_ =	shalt  }
0x70: {  	_ =	shalt  }
0x71: {  	_ =	shalt  }
0x72: {  	_ =	shalt  }
0x73: {  	_ =	shalt  }
0x74: {  	_ =	shalt  }
0x75: {  	_ =	shalt  }
0x76: {  	_ =	shalt  }
0x77: {  	_ =	shalt  }
0x78: {  	_ =	shalt  }
0x79: {  	_ =	shalt  }
0x7a: {  	_ =	shalt  }
0x7b: {  	_ =	shalt  }
0x7c: {  	_ =	shalt  }
0x7d: {  	_ =	shalt  }
0x7e: {  	_ =	shalt  }
0x7f: {  	_ =	shalt  }
0x80: {  	_ =	shalt  }
0x81: {  	_ =	shalt  }
0x82: {  	_ =	shalt  }
0x83: {  	_ =	shalt  }
0x84: {  	_ =	shalt  }
0x85: {  	_ =	shalt  }
0x86: {  	_ =	shalt  }
0x87: {  	_ =	shalt  }
.Lfunc_end0:
.L_simem_size_0:
called_computation_lowered:
.L_overlay_start_0:
0x88: {  	s2 =	sld [smem:$0x3FD9]  }
0x89: {  	s3 =	sld [smem:$0x3FFE];
	_ =	sdelay $0x1  }
0x8a: {  	s1 =	srdreg.scid  }
0x8b: {  	s0 =	sand.u32 $0x1, s1  }
0x8c: {  	s15 =	sshll.u32 s0, $0xA;
	s2 =	sadd.s32 s3, s2  }
0x8d: {  	s2 =	sadd.s32 s2, s15  }
0x8e: {  	[smem:$0x3FC7] =	sst s2  }
0x8f: {  	_ = 	snop  }
0x90: {  	s2 =	sld [smem:$0x3FD0];
	_ =	sdelay $0x2  }
0x91: {  	s16 =	simm.s32 $0xA;
	s4 =	simm.s32 $0x10  }
0x92: {  	[smem:s4], [sflag:s16] =	dma.local [hbm:s2], $0x1  }
0x93: {  	_ =	swait.eq [sflag:s16], $0x1  }
0x94: {  	[sflag:s16] =	ssyncset.done $0x0  }
0x95: {  	s17 =	sld [smem:$0x10];
	[sflag:s16] =	ssyncadd.s32 $0xFFFFFFFF  }
0x96: {  	s18 =	sld [smem:$0x11];
	(tm) =	ssettm $0x1  }
0x97: {  	s19 =	sld [smem:$0x3FFB];
	_ =	sdelay $0x3  }
0x98: {  	_ =	strace s19  }
0x99: {  	s4 =	sld [smem:$0x3FFC];
	_ =	sdelay $0x3  }
0x9a: {  	_ =	strace s4  }
0x9b: {  	s4 =	sld [smem:$0x3FFD];
	_ =	sdelay $0x3  }
0x9c: {  	_ =	strace s4  }
0x9d: {  	_ =	strace $0x8FFFFFFF  }
0x9e: {  	s20 =	sld [smem:$0x3FDB];
	_ =	sdelay $0x1  }
0x9f: {  	s5 =	simm.s32 $_scs_section_size  }
0xa0: {  	s6 =	simm.s32 $_size__tile_overlayer_lowered;
	s7 =	simm.s32 $_tile_overlayer_lowered  }
0xa1: {  	s23 =	simm.s32 $0x1BFF;
	s22 =	sshll.u32 s7, $0x1;
	s4 =	sadd.s32 s5, s20  }
0xa2: {  	s8 =	simm.s32 $0x0;
	s21 =	sshll.u32 s6, $0x1;
	s6 =	sadd.s32 s22, s4  }
0xa3: {  	[timem:s8], [sflag:s23] =	dma.local [hbm:s6], s21  }
0xa4: {  	_ =	swait.ge [sflag:s23], s21  }
0xa5: {  	s5 =	ssub.s32 $0x0, s21;
	[sflag:s23] =	ssyncset.done $0x0  }
0xa6: {  	[sflag:s23] =	ssyncadd.s32 s5;
	_ =	sdelay $0x1  }
0xa7: {  	s24 =	simm.s32 $0x1B8B  }
0xa8: {  	_ =	swait.ge [sflag:s24], $0x1  }
0xa9: {  	[sflag:s24] =	ssyncset.done $0x0  }
0xaa: {  	s25 =	simm.s32 $0x1B8E;
	[sflag:s24] =	ssyncadd.s32 $0xFFFFFFFF  }
0xab: {  	s26 =	simm.s32 $execute0_lowered;
	[smem:$0x3FD2] =	sst s25  }
0xac: {  	s5 =	sshll.u32 s26, $0x1;
	_ =	strace $0x80000046;
	[dreg:$0x1] =	wrdreg $0xFFFFFFFF  }
0xad: {  	s28 =	simm.s32 $_size_execute0_lowered;
	s4 =	sadd.s32 s4, s5;
	[dreg:$0x0] =	wrdreg $0x0  }
0xae: {  	s5 =	sshll.u32 s28, $0x1;
	[dreg:$0x2] =	wrdreg s4  }
0xaf: {  	[dreg:$0x3] =	wrdreg s5  }
0xb0: {  	[dreg:$0x4] =	wrdreg $0xC0  }
0xb1: {  	_ =	task [dreg:s8], $0x5FFFF  }
0xb2: {  	[dreg:$0x1] =	wrdreg $0xFFFFFFFF  }
0xb3: {  	[dreg:$0x0] =	wrdreg $0x60  }
0xb4: {  	[dreg:$0x2] =	wrdreg s17  }
0xb5: {  	[dreg:$0x3] =	wrdreg s18  }
0xb6: {  	[dreg:$0x4] =	wrdreg $0x9  }
0xb7: {  	_ =	task.clear_ibuf [dreg:s8], $0x5FFFF;
	_ =	strace $0x90000046  }
0xb8: {  	s29 =	simm.s32 $0x9;
	_ =	strace $0x80000048  }
0xb9: {  	_ =	swait.ge [sflag:s29], $0x1  }
0xba: {  	[sflag:s29] =	ssyncadd.s32 $0xFFFFFFFF  }
0xbb: {  	_ =	strace $0x90000048  }
0xbc: {  	_ =	sfence  }
0xbd: {  	s30 =	sld [smem:$0x0];
	_ =	sdelay $0x2  }
0xbe: {  	s31 =	sshll.u32 s1, $0xD;
	s1 =	sshrl.u32 s1, $0x2  }
0xbf: {  	s3 =	sand.u32 $0x4000, s31;
	s1 =	sadd.s32 s1, s30  }
0xc0: {  	s0 =	sor.u32 s3, s0;
	s1 =	sshll.u32 s1, $0x11  }
0xc1: {  	s0 =	sor.u32 s1, s0  }
0xc2: {  	s0 =	sadd.s32 $0x8F2B, s0  }
0xc3: {  	[sflag:s0] =	ssyncadd.remote.s32 $0x1  }
0xc4: {  	_ =	sfence.sel $0xFFFF  }
0xc5: {  	[dreg:$0x0] =	wrdreg $0xFFFFFFFF;
	(pc) =	sbr.abs _section_cstart, $3  }
0xc6: {  	[dreg:$0x1] =	wrdreg $0xFFFFFFFF  }
0xc7: {  	_ =	task.clear_ibuf [dreg:s8], $0x2FFFF;
	_ =	strace $0x9FFFFFFF  }
0xc8: {  	(tm) =	ssettm $0x7FFFFFFF  }
0xc9: {  	_ =	shalt  }
tec
execute0_lowered:
.L_overlay_start_1:
0x0: {  	(tag) =	ssettag $0x1  }
0x1: {  	s1 =	stileid.u32  }
0x2: {  	p0 =	sgt.u32 s1, $0x1  }
.Ltmp0:
0x3: {  	_ = 	snop;
	(pc) =	sbr.rel @p0 .LBB2_15-.Ltmp0, $4  }
0x4: {  	s4 =	rddreg [dreg:$0x0]  }
0x5: {  	s3 =	rddreg [dreg:$0x1];
	s2 =	simm.s32 $0x0  }
0x6: {  	[smem:$0x7FF] =	sst s2  }
0x7: {  	s0 =	rddreg [dreg:$0x2];
	_ =	strace $0x80000047  }
0x8: {  	s5 =	srdreg.scid;
	s7 =	sshll.u32 s1, $0x5  }
0x9: {  	s9 =	simm.s32 $0xFFFFFFFF;
	s10 =	simm.s32 $0x2000;
	s5 =	sand.u32 $0x1, s5  }
0xa: {  	s11 =	simm.s32 $0x0;
	s6 =	ssub.s32 $0x2, s5;
	s5 =	sshll.u32 s5, $0x4  }
0xb: {  	s8 =	sshrl.u32 s6, $0x1;
	s5 =	sor.u32 s5, s7;
	s7 =	simm.s32 $0x200  }
0xc: {  	s6 =	ssub.s32 s6, s8;
	s3 =	sadd.s32 s3, s5;
	s4 =	sadd.s32 s4, s5  }
0xd: {  	v0 =	vimm.s32 $0x0;
	v1 =	vlaneseq.u32;
	s8 =	simm.s32 $0x1;
	s5 =	smax.u32 s6, $0x1;
	s6 =	simm.s32 $0x80  }
.LBB2_2:
0xe: {  	[tilespmem:s2], [sflag:$0x1] =	stream.strided.gather [hbm4b:s4+s6], $0x2000, s7, s6, $0x38;
	[tilespmem:$0x3080] =	vst v63  }
0xf: {  	_ =	swait.ge [sflag:s8], $0x2000  }
0x10: {  	[sflag:s8] =	ssyncset.done $0x0  }
0x11: {  	s13 =	simm.s32 $0x40;
	[sflag:s8] =	ssyncadd.s32 $0xFFFFE000  }
0x12: {  	v2 =	vld [tilespmem:s13+$0xFFFFFFC0];
	_ =	sdelay $0x1  }
0x13: {  	v3 =	vld [tilespmem:s13+$0xFFFFFFD0];
	_ =	sdelay $0x1  }
0x14: {  	v4 =	vimm.s32 $0x7F800000;
	v5 =	vld [tilespmem:s13+$0xFFFFFFE0]  }
0x15: {  	vm0 =	vlt.s32 v4, v2;
	vm1 =	vgt.s32 v0, v2  }
0x16: {  	v6 =	vld [tilespmem:s13+$0xFFFFFFF0];
	v4 =	vsel vm0, v4, v2;
	v2 =	vsel vm1, v0, v2  }
0x17: {  	vm0 =	vlt.s32 v4, v3;
	vm1 =	vgt.s32 v2, v3  }
0x18: {  	v7 =	vld [tilespmem:s13+$0x0];
	v4 =	vsel vm0, v4, v3;
	v2 =	vsel vm1, v2, v3  }
0x19: {  	vm0 =	vlt.s32 v4, v5;
	vm1 =	vgt.s32 v2, v5  }
0x1a: {  	v3 =	vsel vm0, v4, v5;
	v4 =	vsel vm1, v2, v5;
	v2 =	vld [tilespmem:s13+$0x10]  }
0x1b: {  	vm0 =	vlt.s32 v3, v6;
	vm1 =	vgt.s32 v4, v6  }
0x1c: {  	v5 =	vsel vm0, v3, v6;
	v4 =	vsel vm1, v4, v6;
	v3 =	vld [tilespmem:s13+$0x20]  }
0x1d: {  	vm0 =	vlt.s32 v5, v7;
	vm1 =	vgt.s32 v4, v7  }
0x1e: {  	v5 =	vsel vm0, v5, v7;
	v6 =	vsel vm1, v4, v7;
	v4 =	vld [tilespmem:s13+$0x30]  }
0x1f: {  	s12 =	simm.s32 $0x0;
	s13 =	simm.s32 $0xC0;
	vm0 =	vlt.s32 v5, v2;
	vm1 =	vgt.s32 v6, v2  }
.LBB2_3:
0x20: {  	v7 =	vld [tilespmem:s13+$0xFFFFFFC0];
	s12 =	sadd.s32 $0x8, s12;
	v5 =	vsel vm0, v5, v2;
	v2 =	vsel vm1, v6, v2  }
0x21: {  	p0 =	slt.u32 s12, $0x1F8;
	vm0 =	vlt.s32 v5, v3;
	vm1 =	vgt.s32 v2, v3  }
0x22: {  	v6 =	vld [tilespmem:s13+$0xFFFFFFD0];
	v5 =	vsel vm0, v5, v3;
	v2 =	vsel vm1, v2, v3  }
0x23: {  	vm0 =	vlt.s32 v5, v4;
	vm1 =	vgt.s32 v2, v4  }
0x24: {  	v3 =	vld [tilespmem:s13+$0xFFFFFFE0];
	v5 =	vsel vm0, v5, v4;
	v2 =	vsel vm1, v2, v4  }
0x25: {  	vm0 =	vlt.s32 v5, v7;
	vm1 =	vgt.s32 v2, v7  }
0x26: {  	v4 =	vsel vm0, v5, v7;
	v2 =	vsel vm1, v2, v7;
	v5 =	vld [tilespmem:s13+$0xFFFFFFF0]  }
0x27: {  	vm0 =	vlt.s32 v4, v6;
	vm1 =	vgt.s32 v2, v6  }
0x28: {  	v4 =	vsel vm0, v4, v6;
	v2 =	vsel vm1, v2, v6;
	v6 =	vld [tilespmem:s13+$0x0]  }
0x29: {  	vm0 =	vlt.s32 v4, v3;
	vm1 =	vgt.s32 v2, v3  }
0x2a: {  	v4 =	vsel vm0, v4, v3;
	v3 =	vsel vm1, v2, v3;
	v2 =	vld [tilespmem:s13+$0x10]  }
.Ltmp1:
0x2b: {  	vm0 =	vlt.s32 v4, v5;
	vm1 =	vgt.s32 v3, v5;
	(pc) =	sbr.rel @p0 .LBB2_3-.Ltmp1, $4  }
0x2c: {  	v4 =	vsel vm0, v4, v5;
	v7 =	vsel vm1, v3, v5;
	v3 =	vld [tilespmem:s13+$0x20]  }
0x2d: {  	vm0 =	vlt.s32 v4, v6;
	vm1 =	vgt.s32 v7, v6  }
0x2e: {  	v5 =	vsel vm0, v4, v6;
	v6 =	vsel vm1, v7, v6;
	v4 =	vld [tilespmem:s13+$0x30]  }
0x2f: {  	s13 =	sadd.s32 $0x80, s13;
	vm0 =	vlt.s32 v5, v2;
	vm1 =	vgt.s32 v6, v2  }
0x30: {  	v5 =	vsel vm0, v5, v2  }
0x31: {  	v2 =	vsel vm1, v6, v2;
	vm0 =	vlt.s32 v5, v3  }
0x32: {  	vm1 =	vgt.s32 v2, v3;
	v5 =	vsel vm0, v5, v3  }
0x33: {  	v2 =	vsel vm1, v2, v3;
	vm0 =	vlt.s32 v5, v4  }
0x34: {  	vm1 =	vgt.s32 v2, v4;
	v3 =	vsel vm0, v5, v4  }
0x35: {  	v2 =	vsel vm1, v2, v4;
	v3 =	vxor.u32 $0x80000000, v3  }
0x36: {  	v2 =	vxor.u32 $0x80000000, v2;
	(xrf0) =	vmin.scan.msk.u32 $0xffff, v3  }
0x37: {  	(xrf0) =	vmax.scan.msk.u32 $0xffff, v2;
	_ =	sdelay $0x4  }
0x38: {  	v2, _, _ =	vpop (xrf0)  }
0x39: {  	(v2sf) =	vpush v2, $0xF;
	v2, _, _ =	vpop (xrf0)  }
0x3a: {  	(v2sf) =	vpush v2, $0xF;
	_ =	sdelay $0xd  }
0x3b: {  	s13 =	spop (v2sf)  }
0x3c: {  	s12 =	spop (v2sf)  }
0x3d: {  	s13 =	sxor.u32 s13, s12  }
0x3e: {  	s14 =	sshra.s32 s13, $0x0  }
0x3f: {  	s16 =	simm.s32 $0x1;
	p0 =	sgt.s32 s14, $0x0  }
0x40: {  	s15 =	simm.s32 $0x1;
	s14 =	simm.s32 $0x0;
	s16 =	simm.s32 @!p0 $0x0  }
.LBB2_5:
0x41: {  	p0 =	sne.s32 s15, $0x1E  }
0x42: {  	s14 =	sadd.s32 s16, s14;
	s16 =	smov.u32 s15;
	s15 =	sadd.s32 $0x1, s15  }
.Ltmp2:
0x43: {  	(pc) =	sbr.rel @p0 .LBB2_5-.Ltmp2, $4  }
0x44: {  	_ = 	snop  }
0x45: {  	s16 =	sshra.s32 s13, s16  }
0x46: {  	p1 =	sgt.s32 s16, $0x0;
	s16 =	simm.s32 $0x1  }
0x47: {  	s16 =	simm.s32 @!p1 $0x0  }
0x48: {  	s13 =	sadd.s32 s16, s14  }
0x49: {  	p0 =	slt.s32 s13, $0x1  }
.Ltmp3:
0x4a: {  	_ = 	snop;
	(pc) =	sbr.rel @p0 .LBB2_10-.Ltmp3, $3  }
0x4b: {  	_ =	sdelay $0x1  }
0x4c: {  	s12 =	sxor.u32 $0x80000000, s12;
	s14 =	sshll.u32 s9, s13  }
0x4d: {  	s12 =	sand.u32 s12, s14;
	s14 =	simm.s32 $0x0  }
.LBB2_7:
0x4e: {  	s17 =	simm.s32 $0x40  }
0x4f: {  	s15 =	sxor.u32 $0xFFFFFFFF, s14;
	v4 =	vld [tilespmem:s17+$0xFFFFFFC0]  }
0x50: {  	s15 =	sadd.s32 s15, s13;
	v6 =	vld [tilespmem:s17+$0xFFFFFFD0]  }
0x51: {  	v7 =	vld [tilespmem:s17+$0xFFFFFFE0];
	s15 =	sshll.u32 s8, s15  }
0x52: {  	v5 =	vld [tilespmem:s17+$0xFFFFFFF0];
	s15 =	sor.u32 s12, s15  }
0x53: {  	v3 =	vld [tilespmem:s17+$0x0];
	v2 =	vmov s15  }
0x54: {  	vm0 =	vge.s32 v4, v2;
	v4 =	vld [tilespmem:s17+$0x10]  }
0x55: {  	v8 =	vimm.s32 $0x0;
	v9 =	vsel vm0, $0x1, v0;
	vm0 =	vge.s32 v6, v2;
	v6 =	vld [tilespmem:s17+$0x20]  }
0x56: {  	s16 =	simm.s32 $0x0;
	v8 =	vadd.s32 v9, v8;
	v9 =	vsel vm0, $0x1, v0;
	vm0 =	vge.s32 v7, v2;
	v7 =	vld [tilespmem:s17+$0x30];
	s17 =	simm.s32 $0xC0  }
.LBB2_8:
0x57: {  	v10 =	vld [tilespmem:s17+$0xFFFFFFC0];
	s16 =	sadd.s32 $0x8, s16;
	v8 =	vadd.s32 v9, v8;
	v9 =	vsel vm0, $0x1, v0;
	vm0 =	vge.s32 v5, v2  }
0x58: {  	v11 =	vld [tilespmem:s17+$0xFFFFFFD0];
	p0 =	slt.u32 s16, $0x1F8;
	v5 =	vadd.s32 v9, v8;
	v8 =	vsel vm0, $0x1, v0;
	vm0 =	vge.s32 v3, v2  }
0x59: {  	v12 =	vld [tilespmem:s17+$0xFFFFFFE0];
	v3 =	vadd.s32 v8, v5;
	v8 =	vsel vm0, $0x1, v0;
	vm0 =	vge.s32 v4, v2  }
.Ltmp4:
0x5a: {  	v5 =	vld [tilespmem:s17+$0xFFFFFFF0];
	v4 =	vadd.s32 v8, v3;
	v8 =	vsel vm0, $0x1, v0;
	vm0 =	vge.s32 v6, v2;
	(pc) =	sbr.rel @p0 .LBB2_8-.Ltmp4, $4  }
0x5b: {  	v3 =	vld [tilespmem:s17+$0x0];
	v6 =	vadd.s32 v8, v4;
	v8 =	vsel vm0, $0x1, v0;
	vm0 =	vge.s32 v7, v2  }
0x5c: {  	vm1 =	vge.s32 v10, v2;
	v4 =	vld [tilespmem:s17+$0x10];
	v7 =	vadd.s32 v8, v6;
	v8 =	vsel vm0, $0x1, v0  }
0x5d: {  	v9 =	vsel vm1, $0x1, v0;
	vm0 =	vge.s32 v11, v2;
	v6 =	vld [tilespmem:s17+$0x20];
	v7 =	vadd.s32 v8, v7  }
0x5e: {  	v8 =	vadd.s32 v9, v7;
	v9 =	vsel vm0, $0x1, v0;
	vm0 =	vge.s32 v12, v2;
	v7 =	vld [tilespmem:s17+$0x30];
	s17 =	sadd.s32 $0x80, s17  }
0x5f: {  	v8 =	vadd.s32 v9, v8;
	v59 =	vsel vm0, $0x1, v0;
	vm11 =	vge.s32 v5, v2  }
0x60: {  	v60 =	vadd.s32 v59, v8;
	v61 =	vsel vm11, $0x1, v0;
	vm12 =	vge.s32 v3, v2  }
0x61: {  	v3 =	vadd.s32 v61, v60;
	v62 =	vsel vm12, $0x1, v0;
	vm13 =	vge.s32 v4, v2  }
0x62: {  	v3 =	vadd.s32 v62, v3;
	v4 =	vsel vm13, $0x1, v0;
	vm14 =	vge.s32 v6, v2  }
0x63: {  	v3 =	vadd.s32 v4, v3;
	v63 =	vsel vm14, $0x1, v0;
	vm15 =	vge.s32 v7, v2  }
0x64: {  	v2 =	vadd.s32 v63, v3;
	v3 =	vsel vm15, $0x1, v0  }
0x65: {  	v2 =	vadd.s32 v3, v2  }
0x66: {  	(xrf0) =	vadd.scan.msk.s32 $0xffff, v2;
	_ =	sdelay $0x5  }
0x67: {  	v2, _, _ =	vpop (xrf0)  }
0x68: {  	(v2sf) =	vpush v2, $0xF;
	_ =	sdelay $0xa  }
0x69: {  	s14 =	sadd.s32 $0x1, s14  }
0x6a: {  	p1 =	sne.s32 s14, s13  }
.Ltmp5:
0x6b: {  	_ = 	snop;
	(pc) =	sbr.rel @p1 .LBB2_7-.Ltmp5, $4  }
0x6c: {  	_ = 	snop  }
0x6d: {  	s16 =	spop (v2sf)  }
0x6e: {  	p0 =	sgt.s32 s16, $0xFFF  }
0x6f: {  	s12 =	smov.u32 @p0 s15  }
.LBB2_10:
0x70: {  	s14 =	simm.s32 $0x40  }
0x71: {  	v4 =	vld [tilespmem:s14+$0xFFFFFFC0]  }
0x72: {  	v6 =	vld [tilespmem:s14+$0xFFFFFFD0]  }
0x73: {  	v7 =	vld [tilespmem:s14+$0xFFFFFFE0]  }
0x74: {  	s13 =	sadd.s32 $0x1, s12;
	v5 =	vld [tilespmem:s14+$0xFFFFFFF0]  }
0x75: {  	v2 =	vmov s13;
	v3 =	vld [tilespmem:s14+$0x0]  }
0x76: {  	vm0 =	vge.s32 v4, v2;
	v4 =	vld [tilespmem:s14+$0x10]  }
0x77: {  	v8 =	vimm.s32 $0x0;
	v9 =	vsel vm0, $0x1, v0;
	vm0 =	vge.s32 v6, v2;
	v6 =	vld [tilespmem:s14+$0x20]  }
0x78: {  	s13 =	simm.s32 $0x0;
	v8 =	vadd.s32 v9, v8;
	v9 =	vsel vm0, $0x1, v0;
	vm0 =	vge.s32 v7, v2;
	v7 =	vld [tilespmem:s14+$0x30];
	s14 =	simm.s32 $0xC0  }
.LBB2_11:
0x79: {  	v10 =	vld [tilespmem:s14+$0xFFFFFFC0];
	s13 =	sadd.s32 $0x8, s13;
	v8 =	vadd.s32 v9, v8;
	v9 =	vsel vm0, $0x1, v0;
	vm0 =	vge.s32 v5, v2  }
0x7a: {  	v11 =	vld [tilespmem:s14+$0xFFFFFFD0];
	p0 =	slt.u32 s13, $0x1F8;
	v5 =	vadd.s32 v9, v8;
	v8 =	vsel vm0, $0x1, v0;
	vm0 =	vge.s32 v3, v2  }
0x7b: {  	v12 =	vld [tilespmem:s14+$0xFFFFFFE0];
	v3 =	vadd.s32 v8, v5;
	v8 =	vsel vm0, $0x1, v0;
	vm0 =	vge.s32 v4, v2  }
.Ltmp6:
0x7c: {  	v5 =	vld [tilespmem:s14+$0xFFFFFFF0];
	v4 =	vadd.s32 v8, v3;
	v8 =	vsel vm0, $0x1, v0;
	vm0 =	vge.s32 v6, v2;
	(pc) =	sbr.rel @p0 .LBB2_11-.Ltmp6, $4  }
0x7d: {  	v3 =	vld [tilespmem:s14+$0x0];
	v6 =	vadd.s32 v8, v4;
	v8 =	vsel vm0, $0x1, v0;
	vm0 =	vge.s32 v7, v2  }
0x7e: {  	vm1 =	vge.s32 v10, v2;
	v4 =	vld [tilespmem:s14+$0x10];
	v7 =	vadd.s32 v8, v6;
	v8 =	vsel vm0, $0x1, v0  }
0x7f: {  	v9 =	vsel vm1, $0x1, v0;
	vm0 =	vge.s32 v11, v2;
	v6 =	vld [tilespmem:s14+$0x20];
	v7 =	vadd.s32 v8, v7  }
0x80: {  	v8 =	vadd.s32 v9, v7;
	v9 =	vsel vm0, $0x1, v0;
	vm0 =	vge.s32 v12, v2;
	v7 =	vld [tilespmem:s14+$0x30];
	s14 =	sadd.s32 $0x80, s14  }
0x81: {  	v8 =	vadd.s32 v9, v8;
	v62 =	vsel vm0, $0x1, v0;
	vm0 =	vge.s32 v5, v2  }
0x82: {  	v5 =	vadd.s32 v62, v8;
	v63 =	vsel vm0, $0x1, v0;
	vm0 =	vge.s32 v3, v2  }
0x83: {  	v3 =	vadd.s32 v63, v5;
	v5 =	vsel vm0, $0x1, v0;
	vm0 =	vge.s32 v4, v2  }
0x84: {  	v3 =	vadd.s32 v5, v3;
	v4 =	vsel vm0, $0x1, v0;
	vm0 =	vge.s32 v6, v2  }
0x85: {  	v3 =	vadd.s32 v4, v3;
	v4 =	vsel vm0, $0x1, v0;
	vm0 =	vge.s32 v7, v2  }
0x86: {  	v2 =	vadd.s32 v4, v3;
	v3 =	vsel vm0, $0x1, v0  }
0x87: {  	v2 =	vadd.s32 v3, v2  }
0x88: {  	(xrf0) =	vadd.scan.msk.s32 $0xffff, v2;
	_ =	sdelay $0x5  }
0x89: {  	v2, _, _ =	vpop (xrf0)  }
0x8a: {  	(v2sf) =	vpush v2, $0xF;
	_ =	sdelay $0x1  }
0x8b: {  	s13 =	simm.s32 $0x20  }
0x8c: {  	v4 =	vld [tilespmem:s13+$0xFFFFFFE0];
	_ =	sdelay $0x3  }
0x8d: {  	v2 =	vmov s12  }
0x8e: {  	vm0 =	veq.s32 v4, v2  }
0x8f: {  	v3 =	vsel vm0, $0x1, v0  }
0x90: {  	(xrf0) =	vadd.scan.msk.s32 $0xffff, v3;
	_ =	sdelay $0x4  }
0x91: {  	s14 =	simm.s32 $0x0;
	v3 =	vsel vm0, $0xFFFFFFFF, v0;
	s22 =	spop (v2sf)  }
0x92: {  	v5 =	vadd.s32 s14, v3;
	v6, _, _ =	vpop (xrf0);
	s12 =	ssub.s32 $0x1000, s22  }
0x93: {  	v5 =	vadd.s32 v6, v5;
	v3 =	vmov s12  }
0x94: {  	vm1 =	vlt.s32 v5, v3  }
0x95: {  	vm2 =	vgt.s32 v4, v2;
	vm0 =	vmand vm0, vm1  }
0x96: {  	v4 =	vor.u32 s14, v1;
	(v2sf) =	vpush v6, $0xF;
	vm0 =	vmor vm2, vm0  }
0x97: {  	[tilespmem:s14+$0x2000] =	vst.msk vm0, v4;
	v4 =	vsel vm0, $0x1, v0  }
0x98: {  	v5 =	vld [tilespmem:s13+$0xFFFFFFF0];
	(xrf0) =	vadd.scan.msk.s32 $0xffff, v4;
	_ =	sdelay $0x4  }
0x99: {  	vm0 =	veq.s32 v5, v2  }
0x9a: {  	v4 =	vsel vm0, $0x1, v0;
	v6, _, _ =	vpop (xrf0)  }
0x9b: {  	(v2sf) =	vpush v6, $0xF;
	(xrf0) =	vadd.scan.msk.s32 $0xffff, v4;
	_ =	sdelay $0x5  }
0x9c: {  	v4 =	vsel vm0, $0xFFFFFFFF, v0;
	s23 =	spop (v2sf);
	v6, _, _ =	vpop (xrf0)  }
0x9d: {  	s12 =	sadd.s32 $0x0, s23;
	v4 =	vadd.s32 v4, v6  }
0x9e: {  	v4 =	vadd.s32 s12, v4  }
0x9f: {  	vm1 =	vlt.s32 v4, v3  }
0xa0: {  	vm2 =	vgt.s32 v5, v2;
	vm0 =	vmand vm0, vm1  }
0xa1: {  	vm0 =	vmor vm2, vm0  }
0xa2: {  	v4 =	vsel vm0, $0x1, v0  }
0xa3: {  	(xrf0) =	vadd.scan.msk.s32 $0xffff, v4;
	_ =	sdelay $0x1  }
0xa4: {  	s24 =	simm.s32 $0x10;
	s15 =	spop (v2sf)  }
0xa5: {  	(v2sf) =	vpush v6, $0xF;
	v4 =	vor.u32 s24, v1;
	s15 =	sadd.s32 $0x0, s15  }
0xa6: {  	[tilespmem:s15+$0x2000] =	vst.msk vm0, v4  }
0xa7: {  	v4 =	vld [tilespmem:s13+$0x0]  }
0xa8: {  	v5, _, _ =	vpop (xrf0)  }
0xa9: {  	(v2sf) =	vpush v5, $0xF;
	_ =	sdelay $0x2  }
0xaa: {  	vm0 =	veq.s32 v4, v2  }
0xab: {  	v5 =	vsel vm0, $0x1, v0  }
0xac: {  	(xrf0) =	vadd.scan.msk.s32 $0xffff, v5;
	_ =	sdelay $0x5  }
0xad: {  	s25 =	spop (v2sf);
	v5 =	vsel vm0, $0xFFFFFFFF, v0;
	v6, _, _ =	vpop (xrf0)  }
0xae: {  	s12 =	sadd.s32 s12, s25;
	v5 =	vadd.s32 v5, v6  }
0xaf: {  	v5 =	vadd.s32 s12, v5  }
0xb0: {  	vm1 =	vlt.s32 v5, v3  }
0xb1: {  	s26 =	simm.s32 $0x20;
	vm2 =	vgt.s32 v4, v2;
	vm0 =	vmand vm0, vm1;
	s16 =	spop (v2sf)  }
0xb2: {  	v4 =	vor.u32 s26, v1;
	(v2sf) =	vpush v6, $0xF;
	s15 =	sadd.s32 s15, s16;
	vm0 =	vmor vm2, vm0  }
0xb3: {  	[tilespmem:s15+$0x2000] =	vst.msk vm0, v4  }
0xb4: {  	v4 =	vsel vm0, $0x1, v0;
	v5 =	vld [tilespmem:s13+$0x10]  }
0xb5: {  	(xrf0) =	vadd.scan.msk.s32 $0xffff, v4;
	_ =	sdelay $0x3  }
0xb6: {  	vm0 =	veq.s32 v5, v2  }
0xb7: {  	v4 =	vsel vm0, $0x1, v0  }
0xb8: {  	v6, _, _ =	vpop (xrf0);
	(xrf0) =	vadd.scan.msk.s32 $0xffff, v4  }
0xb9: {  	(v2sf) =	vpush v6, $0xF;
	_ =	sdelay $0x4  }
0xba: {  	v4 =	vsel vm0, $0xFFFFFFFF, v0;
	s28 =	spop (v2sf);
	v6, _, _ =	vpop (xrf0)  }
0xbb: {  	s12 =	sadd.s32 s12, s28;
	v4 =	vadd.s32 v4, v6  }
0xbc: {  	v4 =	vadd.s32 s12, v4  }
0xbd: {  	vm1 =	vlt.s32 v4, v3  }
0xbe: {  	vm2 =	vgt.s32 v5, v2;
	vm0 =	vmand vm0, vm1  }
0xbf: {  	vm0 =	vmor vm2, vm0  }
0xc0: {  	v4 =	vsel vm0, $0x1, v0  }
0xc1: {  	(xrf0) =	vadd.scan.msk.s32 $0xffff, v4;
	_ =	sdelay $0x1  }
0xc2: {  	s29 =	simm.s32 $0x30;
	(v2sf) =	vpush v6, $0xF  }
0xc3: {  	v4 =	vor.u32 s29, v1;
	s30 =	spop (v2sf)  }
0xc4: {  	s17 =	sadd.s32 s15, s30  }
0xc5: {  	s13 =	simm.s32 $0x60;
	[tilespmem:s17+$0x2000] =	vst.msk vm0, v4  }
0xc6: {  	v5 =	vld [tilespmem:s13+$0xFFFFFFE0];
	v4, _, _ =	vpop (xrf0)  }
0xc7: {  	(v2sf) =	vpush v4, $0xF;
	_ =	sdelay $0x3  }
0xc8: {  	vm1 =	veq.s32 v5, v2  }
0xc9: {  	v4 =	vsel vm1, $0x1, v0  }
0xca: {  	(xrf0) =	vadd.scan.msk.s32 $0xffff, v4;
	_ =	sdelay $0x3  }
0xcb: {  	s31 =	spop (v2sf)  }
0xcc: {  	s16 =	sadd.s32 s12, s31;
	v4 =	vsel vm1, $0xFFFFFFFF, v0  }
0xcd: {  	v4 =	vadd.s32 s16, v4;
	v6, _, _ =	vpop (xrf0)  }
0xce: {  	v7 =	vadd.s32 v6, v4;
	(v2sf) =	vpush v6, $0xF  }
0xcf: {  	s12 =	simm.s32 $0x40;
	vm2 =	vlt.s32 v7, v3  }
0xd0: {  	s14 =	simm.s32 $0x4;
	s15 =	simm.s32 $0x80;
	vm0 =	vgt.s32 v5, v2;
	v4 =	vor.u32 s12, v1;
	vm1 =	vmand vm1, vm2;
	s18 =	spop (v2sf)  }
.LBB2_13:
0xd1: {  	v5 =	vor.u32 s15, v1;
	s14 =	sadd.s32 $0x4, s14;
	vm0 =	vmor vm0, vm1;
	s17 =	sadd.s32 s17, s18  }
0xd2: {  	p0 =	slt.u32 s14, $0x1FC;
	[tilespmem:s17+$0x2000] =	vst.msk vm0, v4;
	v6 =	vsel vm0, $0x1, v0;
	v4 =	vmov v5  }
0xd3: {  	v5 =	vld [tilespmem:s13+$0xFFFFFFF0];
	(xrf0) =	vadd.scan.msk.s32 $0xffff, v6;
	_ =	sdelay $0x4  }
0xd4: {  	vm0 =	veq.s32 v5, v2  }
0xd5: {  	v6 =	vsel vm0, $0x1, v0;
	v7, _, _ =	vpop (xrf0)  }
0xd6: {  	(v2sf) =	vpush v7, $0xF;
	(xrf0) =	vadd.scan.msk.s32 $0xffff, v6;
	_ =	sdelay $0x2  }
0xd7: {  	s18 =	spop (v2sf);
	_ =	sdelay $0x2  }
0xd8: {  	v6 =	vsel vm0, $0xFFFFFFFF, v0;
	v7, _, _ =	vpop (xrf0)  }
0xd9: {  	s16 =	sadd.s32 s16, s18;
	v6 =	vadd.s32 v6, v7;
	(v2sf) =	vpush v7, $0xF  }
0xda: {  	v6 =	vadd.s32 s16, v6  }
0xdb: {  	vm1 =	vlt.s32 v6, v3  }
0xdc: {  	vm2 =	vgt.s32 v5, v2;
	vm0 =	vmand vm0, vm1  }
0xdd: {  	vm0 =	vmor vm2, vm0  }
0xde: {  	v5 =	vsel vm0, $0x1, v0  }
0xdf: {  	(xrf0) =	vadd.scan.msk.s32 $0xffff, v5;
	_ =	sdelay $0x1  }
0xe0: {  	s18 =	sadd.s32 $0x10, s12;
	s19 =	spop (v2sf)  }
0xe1: {  	v5 =	vor.u32 s18, v1;
	s17 =	sadd.s32 s17, s19  }
0xe2: {  	[tilespmem:s17+$0x2000] =	vst.msk vm0, v5  }
0xe3: {  	v5 =	vld [tilespmem:s13+$0x0]  }
0xe4: {  	v6, _, _ =	vpop (xrf0)  }
0xe5: {  	(v2sf) =	vpush v6, $0xF;
	_ =	sdelay $0x1  }
0xe6: {  	s18 =	spop (v2sf)  }
0xe7: {  	vm0 =	veq.s32 v5, v2  }
0xe8: {  	v6 =	vsel vm0, $0x1, v0  }
0xe9: {  	(xrf0) =	vadd.scan.msk.s32 $0xffff, v6;
	_ =	sdelay $0x5  }
0xea: {  	v6 =	vsel vm0, $0xFFFFFFFF, v0;
	v7, _, _ =	vpop (xrf0)  }
0xeb: {  	s16 =	sadd.s32 s16, s18;
	v6 =	vadd.s32 v6, v7;
	(v2sf) =	vpush v7, $0xF  }
0xec: {  	v6 =	vadd.s32 s16, v6  }
0xed: {  	vm1 =	vlt.s32 v6, v3  }
0xee: {  	s18 =	sadd.s32 $0x20, s12;
	vm2 =	vgt.s32 v5, v2;
	vm0 =	vmand vm0, vm1;
	s19 =	spop (v2sf)  }
0xef: {  	v5 =	vor.u32 s18, v1;
	s17 =	sadd.s32 s17, s19;
	vm0 =	vmor vm2, vm0  }
0xf0: {  	[tilespmem:s17+$0x2000] =	vst.msk vm0, v5;
	v5 =	vsel vm0, $0x1, v0  }
0xf1: {  	v6 =	vld [tilespmem:s13+$0x10];
	(xrf0) =	vadd.scan.msk.s32 $0xffff, v5;
	_ =	sdelay $0x4  }
0xf2: {  	vm0 =	veq.s32 v6, v2  }
0xf3: {  	v5 =	vsel vm0, $0x1, v0;
	v7, _, _ =	vpop (xrf0)  }
0xf4: {  	(v2sf) =	vpush v7, $0xF;
	(xrf0) =	vadd.scan.msk.s32 $0xffff, v5;
	_ =	sdelay $0x1  }
0xf5: {  	s18 =	spop (v2sf);
	_ =	sdelay $0x3  }
0xf6: {  	v5 =	vsel vm0, $0xFFFFFFFF, v0;
	v7, _, _ =	vpop (xrf0)  }
0xf7: {  	s16 =	sadd.s32 s16, s18;
	v5 =	vadd.s32 v5, v7;
	(v2sf) =	vpush v7, $0xF  }
0xf8: {  	v5 =	vadd.s32 s16, v5  }
0xf9: {  	vm1 =	vlt.s32 v5, v3  }
0xfa: {  	vm2 =	vgt.s32 v6, v2;
	vm0 =	vmand vm0, vm1  }
0xfb: {  	vm0 =	vmor vm2, vm0  }
0xfc: {  	v5 =	vsel vm0, $0x1, v0  }
0xfd: {  	(xrf0) =	vadd.scan.msk.s32 $0xffff, v5;
	_ =	sdelay $0x1  }
0xfe: {  	s18 =	sadd.s32 $0x30, s12;
	s12 =	smov.u32 s15;
	s19 =	spop (v2sf)  }
0xff: {  	v5 =	vor.u32 s18, v1;
	s17 =	sadd.s32 s17, s19  }
0x100: {  	[tilespmem:s17+$0x2000] =	vst.msk vm0, v5  }
0x101: {  	s13 =	sadd.s32 $0x40, s13  }
0x102: {  	v5 =	vld [tilespmem:s13+$0xFFFFFFE0];
	v6, _, _ =	vpop (xrf0)  }
0x103: {  	(v2sf) =	vpush v6, $0xF;
	_ =	sdelay $0x1  }
0x104: {  	s18 =	spop (v2sf)  }
0x105: {  	s16 =	sadd.s32 s16, s18  }
0x106: {  	vm1 =	veq.s32 v5, v2  }
0x107: {  	v6 =	vsel vm1, $0xFFFFFFFF, v0;
	v7 =	vsel vm1, $0x1, v0  }
0x108: {  	(xrf0) =	vadd.scan.msk.s32 $0xffff, v7;
	_ =	sdelay $0x4  }
.Ltmp7:
0x109: {  	(pc) =	sbr.rel @p0 .LBB2_13-.Ltmp7, $4  }
0x10a: {  	v6 =	vadd.s32 s16, v6;
	v7, _, _ =	vpop (xrf0)  }
0x10b: {  	v6 =	vadd.s32 v7, v6;
	(v2sf) =	vpush v7, $0xF  }
0x10c: {  	vm2 =	vlt.s32 v6, v3  }
0x10d: {  	s15 =	sadd.s32 $0x40, s15;
	vm0 =	vgt.s32 v5, v2;
	vm1 =	vmand vm1, vm2;
	s18 =	spop (v2sf)  }
0x10e: {  	vm0 =	vmor vm0, vm1;
	s14 =	sadd.s32 s17, s18  }
0x10f: {  	[tilespmem:s14+$0x2000] =	vst.msk vm0, v4;
	v49 =	vsel vm0, $0x1, v0  }
0x110: {  	v5 =	vld [tilespmem:s13+$0xFFFFFFF0];
	(xrf0) =	vadd.scan.msk.s32 $0xffff, v49;
	_ =	sdelay $0x4  }
0x111: {  	vm8 =	veq.s32 v5, v2  }
0x112: {  	v50 =	vsel vm8, $0x1, v0;
	v6, _, _ =	vpop (xrf0)  }
0x113: {  	(v2sf) =	vpush v6, $0xF;
	(xrf0) =	vadd.scan.msk.s32 $0xffff, v50;
	_ =	sdelay $0x5  }
0x114: {  	v51 =	vsel vm8, $0xFFFFFFFF, v0;
	s15 =	spop (v2sf);
	v52, _, _ =	vpop (xrf0)  }
0x115: {  	s15 =	sadd.s32 s16, s15;
	v4 =	vadd.s32 v51, v52  }
0x116: {  	v4 =	vadd.s32 s15, v4  }
0x117: {  	vm9 =	vlt.s32 v4, v3  }
0x118: {  	vm2 =	vgt.s32 v5, v2;
	vm0 =	vmand vm8, vm9  }
0x119: {  	vm0 =	vmor vm2, vm0  }
0x11a: {  	v53 =	vsel vm0, $0x1, v0  }
0x11b: {  	(xrf0) =	vadd.scan.msk.s32 $0xffff, v53;
	_ =	sdelay $0x1  }
0x11c: {  	s21 =	sadd.s32 $0x10, s12;
	s22 =	spop (v2sf)  }
0x11d: {  	v54 =	vor.u32 s21, v1;
	(v2sf) =	vpush v52, $0xF;
	s14 =	sadd.s32 s14, s22  }
0x11e: {  	[tilespmem:s14+$0x2000] =	vst.msk vm0, v54  }
0x11f: {  	v4 =	vld [tilespmem:s13+$0x0]  }
0x120: {  	v55, _, _ =	vpop (xrf0)  }
0x121: {  	(v2sf) =	vpush v55, $0xF;
	_ =	sdelay $0x2  }
0x122: {  	vm10 =	veq.s32 v4, v2  }
0x123: {  	v56 =	vsel vm10, $0x1, v0  }
0x124: {  	(xrf0) =	vadd.scan.msk.s32 $0xffff, v56;
	_ =	sdelay $0x5  }
0x125: {  	v57 =	vsel vm10, $0xFFFFFFFF, v0;
	s23 =	spop (v2sf);
	v58, _, _ =	vpop (xrf0)  }
0x126: {  	s15 =	sadd.s32 s15, s23;
	v5 =	vadd.s32 v57, v58  }
0x127: {  	v5 =	vadd.s32 s15, v5  }
0x128: {  	vm11 =	vlt.s32 v5, v3  }
0x129: {  	s24 =	sadd.s32 $0x20, s12;
	vm12 =	vgt.s32 v4, v2;
	vm0 =	vmand vm10, vm11;
	s25 =	spop (v2sf)  }
0x12a: {  	v59 =	vor.u32 s24, v1;
	(v2sf) =	vpush v58, $0xF;
	s14 =	sadd.s32 s14, s25;
	vm0 =	vmor vm12, vm0  }
0x12b: {  	[tilespmem:s14+$0x2000] =	vst.msk vm0, v59  }
0x12c: {  	v4 =	vld [tilespmem:s13+$0x10];
	_ =	sdelay $0x4  }
0x12d: {  	v60 =	vsel vm0, $0x1, v0;
	vm13 =	veq.s32 v4, v2  }
0x12e: {  	(xrf0) =	vadd.scan.msk.s32 $0xffff, v60;
	v61 =	vsel vm13, $0x1, v0  }
0x12f: {  	(xrf0) =	vadd.scan.msk.s32 $0xffff, v61;
	_ =	sdelay $0x4  }
0x130: {  	v62, _, _ =	vpop (xrf0)  }
0x131: {  	v63 =	vsel vm13, $0xFFFFFFFF, v0;
	s26 =	spop (v2sf);
	v7, _, _ =	vpop (xrf0)  }
0x132: {  	s13 =	sadd.s32 s15, s26;
	v6 =	vadd.s32 v63, v7  }
0x133: {  	v6 =	vadd.s32 s13, v6  }
0x134: {  	vm14 =	vlt.s32 v6, v3  }
0x135: {  	vm15 =	vgt.s32 v4, v2;
	vm0 =	vmand vm13, vm14  }
0x136: {  	vm0 =	vmor vm15, vm0  }
0x137: {  	v2 =	vsel vm0, $0x1, v0  }
0x138: {  	(xrf0) =	vadd.scan.msk.s32 $0xffff, v2;
	_ =	sdelay $0x1  }
0x139: {  	(v2sf) =	vpush v62, $0xF;
	_ =	sdelay $0x3  }
0x13a: {  	(v2sf) =	vpush v7, $0xF;
	v2, _, _ =	vpop (xrf0)  }
0x13b: {  	(v2sf) =	vpush v2, $0xF;
	_ =	sdelay $0x9  }
0x13c: {  	s29 =	sadd.s32 $0x30, s12;
	s28 =	spop (v2sf)  }
0x13d: {  	s11 =	sadd.s32 $0x1, s11;
	s13 =	sadd.s32 s14, s28;
	v2 =	vor.u32 s29, v1  }
0x13e: {  	p0 =	sne.s32 s11, s5;
	[tilespmem:s13+$0x2000] =	vst.msk vm0, v2  }
0x13f: {  	[hbm4b:s3+s6] =	stream.strided.scatter [tilespmem:s10], [sflag:$0x1], $0x1000, s7, s6, $0x38;
	[tilespmem:$0x3080] =	vst v63  }
.Ltmp8:
0x140: {  	s30 =	spop (v2sf);
	(pc) =	sbr.rel @p0 .LBB2_2-.Ltmp8, $4  }
0x141: {  	s31 =	spop (v2sf)  }
0x142: {  	_ =	swait.ge [sflag:s8], $0x1000  }
0x143: {  	[sflag:s8] =	ssyncset.done $0x0  }
0x144: {  	[sflag:s8] =	ssyncadd.s32 $0xFFFFF000  }
.LBB2_15:
0x145: {  	_ =	sfence.sel $0x180000  }
0x146: {  	[bflag:$0x0] =	sbarrier.arrive $0xFFFF  }
0x147: {  	p0 =	sne.s32 s1, $0x0;
	_ =	strace $0x90000047  }
0x148: {  	s0 =	sadd.s32 @!p0 $0x100000, s0;
	[bflag:$0x2] =	sbarrier.arrive $0xFFFF  }
0x149: {  	[sflag:s0] =	ssyncadd.tile.s32 @!p0 $0x1;
	_ =	shalt  }
.Lfunc_end2:
_tile_overlayer_lowered:
.L_overlay_start_2:
0x14a: {  	(tag) =	ssettag $0x2  }
0x14b: {  	s0 =	rddreg [dreg:$0x0];
	s2 =	stileid.u32  }
0x14c: {  	s1 =	rddreg [dreg:$0x1];
	p0 =	sne.s32 s2, $0x0  }
0x14d: {  	s3 =	rddreg [dreg:$0x2];
	[bflag:$0x3] =	sbarrier.arrive $0xFFFF;
	s2 =	simm.s32 @!p0 $0x1C01  }
0x14e: {  	[timem:s3], [sflag:s2] =	dma.local @!p0 [hbm:s0], s1  }
0x14f: {  	s0 =	simm.s32 @!p0 $0x1  }
0x150: {  	_ =	swait.ge @!p0 [sflag:s0], s1  }
0x151: {  	s1 =	ssub.s32 @!p0 $0x0, s1;
	[sflag:s0] =	ssyncset.done @!p0 $0x0  }
0x152: {  	[sflag:s0] =	ssyncadd.s32 @!p0 s1  }
0x153: {  	[bflag:$0x3] =	sbarrier.arrive $0xFFFF  }
0x154: {  	_ =	shalt  }

// kernel: kernel.7.cloned.1.call-start
scs
__scs_entry_jumppad:
0x0: {  	(pc) =	sbr.rel $0x88, $3  }
0x1: {  	(tag) =	ssettag $0x0;
	lr =	simm.s32 $0x1  }
0x2: {  	[smem:$0x3FA0] =	sst lr;
	_ =	strace $0xD0000000  }
0x3: {  	_ = 	snop  }
0x4: {  	_ = 	snop  }
0x5: {  	_ = 	snop  }
0x6: {  	_ = 	snop  }
0x7: {  	_ = 	snop  }
__scs_overlays_trampoline_lowered:
0x8: {  	[smem:$0x3FAF] =	sst s0  }
0x9: {  	[smem:$0x3FB0] =	sst s1  }
0xa: {  	[smem:$0x3FB1] =	sst s2  }
0xb: {  	[smem:$0x3FB2] =	sst s3  }
0xc: {  	[smem:$0x3FB3] =	sst s4  }
0xd: {  	[smem:$0x3FB4] =	sst s5  }
0xe: {  	[smem:$0x3FB5] =	sst s6  }
0xf: {  	[smem:$0x3FB6] =	sst s7  }
0x10: {  	[smem:$0x3FB7] =	sst s8  }
0x11: {  	[smem:$0x3FB8] =	sst s9;
	s0 =	simm.s32 @!p0 $0x0  }
0x12: {  	s1 =	sld [smem:$0x3F9E];
	s0 =	simm.s32 @p0 $0x1  }
0x13: {  	[smem:$0x3FB9] =	sst s0;
	s0 =	simm.s32 @!p1 $0x0  }
0x14: {  	s2 =	sld [smem:$0x3F9D];
	s0 =	simm.s32 @p1 $0x1  }
0x15: {  	[smem:$0x3FBA] =	sst s0;
	s0 =	simm.s32 @!p2 $0x0  }
0x16: {  	s3 =	sld [smem:$0x3FDB];
	s0 =	simm.s32 @p2 $0x1  }
0x17: {  	s4 =	simm.s32 $0x1BF5;
	[smem:$0x3FBC] =	sst s0  }
0x18: {  	s0 =	sld [smem:$0x3F9F];
	_ =	swait.ge [sflag:s4], $0x0  }
0x19: {  	s7 =	sld [smem:$0x3FA0]  }
0x1a: {  	s8 =	sadd.s32 $0xFFFFE003, lr  }
0x1b: {  	s9 =	sadd.s32 $0xFFFFFEF7, lr;
	s5 =	simm.s32 $0xFFFFFFFF;
	p2 =	slt.u32 s8, $0xFFFFF086  }
0x1c: {  	p1 =	slt.u32 s9, $0xF7A;
	s5 =	simm.s32 @!p2 $0x0  }
0x1d: {  	s5 =	simm.s32 @p1 $0x1;
	p0 =	seq.s32 s7, s2  }
0x1e: {  	s7 =	smul.u32 @!p0 $0xF7A, s2;
	p2 =	seq.s32 @!p0 s5, $0x0  }
0x1f: {  	s9 =	smul.u32 $0xF7A, s1;
	s8 =	simm.s32 @!p0 $0x1BF5;
	p2 =	por !p2, p0  }
0x20: {  	[sflag:s8] =	ssyncset.s32 @!p0 $0xFFFFF086;
	s6 =	sadd.s32 @!p0 s3, s7;
	s7 =	simm.s32 @!p0 $0x108  }
0x21: {  	s3 =	sadd.s32 s3, s9;
	s6 =	sadd.s32 @!p0 $0x88, s6;
	s7 =	simm.s32 @p2 $0x1082  }
0x22: {  	[simem:s7], [sflag:s8] =	dma.local @!p0 [hbm:s6], $0xF7A  }
0x23: {  	s9 =	sor.u32 $0xD0000000, s2;
	s6 =	simm.s32 $0x108;
	_ =	swait.ge @!p0 [sflag:s8], $0x0  }
0x24: {  	s3 =	sadd.s32 $0x88, s3;
	s6 =	simm.s32 @!p1 $0x1082;
	[sflag:s4] =	ssyncset.s32 $0xFFFFF086  }
0x25: {  	[simem:s6], [sflag:s4] =	dma.local [hbm:s3], $0xF7A  }
0x26: {  	[smem:$0x3FA0] =	sst s1;
	(tag) =	ssettag s2;
	_ =	strace s9  }
0x27: {  	s1 =	sld [smem:$0x3FB0]  }
0x28: {  	s2 =	sld [smem:$0x3FB1]  }
0x29: {  	s4 =	sld [smem:$0x3FB3]  }
0x2a: {  	p0 =	seq.s32 s5, $0x0;
	s5 =	sld [smem:$0x3FB4]  }
0x2b: {  	s6 =	sld [smem:$0x3FB5]  }
0x2c: {  	s7 =	sld [smem:$0x3FB6]  }
0x2d: {  	s3 =	simm.s32 $0x108;
	s8 =	sld [smem:$0x3FB7]  }
0x2e: {  	s3 =	simm.s32 @!p0 $0x1082;
	s9 =	sld [smem:$0x3FB8]  }
0x2f: {  	lr =	sadd.s32 s0, s3;
	s0 =	sld [smem:$0x3FAF]  }
0x30: {  	s3 =	sld [smem:$0x3FB2]  }
0x31: {  	[smem:$0x3FBB] =	sst s10  }
0x32: {  	s10 =	sld [smem:$0x3FB9];
	_ =	sdelay $0x3  }
0x33: {  	p0 =	seq.s32 s10, $0x1;
	s10 =	sld [smem:$0x3FBB];
	_ =	sdelay $0x3  }
0x34: {  	[smem:$0x3FBB] =	sst s10  }
0x35: {  	s10 =	sld [smem:$0x3FBA];
	_ =	sdelay $0x3  }
0x36: {  	p1 =	seq.s32 s10, $0x1;
	s10 =	sld [smem:$0x3FBB];
	_ =	sdelay $0x3  }
0x37: {  	[smem:$0x3FBB] =	sst s10  }
0x38: {  	s10 =	sld [smem:$0x3FBC]  }
0x39: {  	_ = 	snop;
	(pc) =	sbr.ind lr, $3  }
0x3a: {  	_ = 	snop  }
0x3b: {  	_ = 	snop  }
0x3c: {  	p2 =	seq.s32 s10, $0x1;
	s10 =	sld [smem:$0x3FBB]  }
0x3d: {  	_ =	shalt  }
0x3e: {  	_ =	shalt  }
0x3f: {  	_ =	shalt  }
0x40: {  	_ =	shalt  }
0x41: {  	_ =	shalt  }
0x42: {  	_ =	shalt  }
0x43: {  	_ =	shalt  }
0x44: {  	_ =	shalt  }
0x45: {  	_ =	shalt  }
0x46: {  	_ =	shalt  }
0x47: {  	_ =	shalt  }
0x48: {  	_ =	shalt  }
0x49: {  	_ =	shalt  }
0x4a: {  	_ =	shalt  }
0x4b: {  	_ =	shalt  }
0x4c: {  	_ =	shalt  }
0x4d: {  	_ =	shalt  }
0x4e: {  	_ =	shalt  }
0x4f: {  	_ =	shalt  }
0x50: {  	_ =	shalt  }
0x51: {  	_ =	shalt  }
0x52: {  	_ =	shalt  }
0x53: {  	_ =	shalt  }
0x54: {  	_ =	shalt  }
0x55: {  	_ =	shalt  }
0x56: {  	_ =	shalt  }
0x57: {  	_ =	shalt  }
0x58: {  	_ =	shalt  }
0x59: {  	_ =	shalt  }
0x5a: {  	_ =	shalt  }
0x5b: {  	_ =	shalt  }
0x5c: {  	_ =	shalt  }
0x5d: {  	_ =	shalt  }
0x5e: {  	_ =	shalt  }
0x5f: {  	_ =	shalt  }
0x60: {  	_ =	shalt  }
0x61: {  	_ =	shalt  }
0x62: {  	_ =	shalt  }
0x63: {  	_ =	shalt  }
0x64: {  	_ =	shalt  }
0x65: {  	_ =	shalt  }
0x66: {  	_ =	shalt  }
0x67: {  	_ =	shalt  }
0x68: {  	_ =	shalt  }
0x69: {  	_ =	shalt  }
0x6a: {  	_ =	shalt  }
0x6b: {  	_ =	shalt  }
0x6c: {  	_ =	shalt  }
0x6d: {  	_ =	shalt  }
0x6e: {  	_ =	shalt  }
0x6f: {  	_ =	shalt  }
0x70: {  	_ =	shalt  }
0x71: {  	_ =	shalt  }
0x72: {  	_ =	shalt  }
0x73: {  	_ =	shalt  }
0x74: {  	_ =	shalt  }
0x75: {  	_ =	shalt  }
0x76: {  	_ =	shalt  }
0x77: {  	_ =	shalt  }
0x78: {  	_ =	shalt  }
0x79: {  	_ =	shalt  }
0x7a: {  	_ =	shalt  }
0x7b: {  	_ =	shalt  }
0x7c: {  	_ =	shalt  }
0x7d: {  	_ =	shalt  }
0x7e: {  	_ =	shalt  }
0x7f: {  	_ =	shalt  }
0x80: {  	_ =	shalt  }
0x81: {  	_ =	shalt  }
0x82: {  	_ =	shalt  }
0x83: {  	_ =	shalt  }
0x84: {  	_ =	shalt  }
0x85: {  	_ =	shalt  }
0x86: {  	_ =	shalt  }
0x87: {  	_ =	shalt  }
.Lfunc_end0:
.L_simem_size_0:
called_computation.1_lowered:
.L_overlay_start_0:
0x88: {  	s2 =	sld [smem:$0x3FD9]  }
0x89: {  	s3 =	sld [smem:$0x3FFE];
	_ =	sdelay $0x1  }
0x8a: {  	s1 =	srdreg.scid  }
0x8b: {  	s0 =	sand.u32 $0x1, s1  }
0x8c: {  	s15 =	sshll.u32 s0, $0xA;
	s2 =	sadd.s32 s3, s2  }
0x8d: {  	s2 =	sadd.s32 s2, s15  }
0x8e: {  	[smem:$0x3FC7] =	sst s2  }
0x8f: {  	_ = 	snop  }
0x90: {  	s2 =	sld [smem:$0x3FD0];
	_ =	sdelay $0x2  }
0x91: {  	s4 =	simm.s32 $0xA;
	s5 =	simm.s32 $0x10;
	s16 =	sld [smem:$0x3FC9]  }
0x92: {  	[smem:s5], [sflag:s4] =	dma.local [hbm:s2], $0x1  }
0x93: {  	_ =	swait.eq [sflag:s4], $0x1  }
0x94: {  	[sflag:s4] =	ssyncset.done $0x0  }
0x95: {  	s17 =	sld [smem:$0x10];
	[sflag:s4] =	ssyncadd.s32 $0xFFFFFFFF  }
0x96: {  	s18 =	sld [smem:$0x11];
	(tm) =	ssettm $0x1  }
0x97: {  	s19 =	sld [smem:$0x3FFB];
	_ =	sdelay $0x3  }
0x98: {  	_ =	strace s19  }
0x99: {  	s5 =	sld [smem:$0x3FFC];
	_ =	sdelay $0x3  }
0x9a: {  	_ =	strace s5  }
0x9b: {  	s5 =	sld [smem:$0x3FFD];
	_ =	sdelay $0x3  }
0x9c: {  	_ =	strace s5  }
0x9d: {  	_ =	strace $0x8FFFFFFF  }
0x9e: {  	s20 =	sld [smem:$0x3FDB];
	_ =	sdelay $0x1  }
0x9f: {  	s6 =	simm.s32 $_scs_section_size  }
0xa0: {  	s7 =	simm.s32 $_size__tile_overlayer_lowered;
	s8 =	simm.s32 $_tile_overlayer_lowered  }
0xa1: {  	s23 =	simm.s32 $0x1BFF;
	s22 =	sshll.u32 s8, $0x1;
	s5 =	sadd.s32 s6, s20  }
0xa2: {  	s9 =	simm.s32 $0x0;
	s21 =	sshll.u32 s7, $0x1;
	s7 =	sadd.s32 s22, s5  }
0xa3: {  	[timem:s9], [sflag:s23] =	dma.local [hbm:s7], s21  }
0xa4: {  	_ =	swait.ge [sflag:s23], s21  }
0xa5: {  	s6 =	ssub.s32 $0x0, s21;
	[sflag:s23] =	ssyncset.done $0x0  }
0xa6: {  	[sflag:s23] =	ssyncadd.s32 s6;
	_ =	sdelay $0x1  }
0xa7: {  	s24 =	simm.s32 $0x1B8B  }
0xa8: {  	_ =	swait.ge [sflag:s24], $0x1  }
0xa9: {  	[sflag:s24] =	ssyncset.done $0x0  }
0xaa: {  	s25 =	simm.s32 $0x1B8E;
	[sflag:s24] =	ssyncadd.s32 $0xFFFFFFFF  }
0xab: {  	s26 =	simm.s32 $execute0_lowered;
	[smem:$0x3FD2] =	sst s25  }
0xac: {  	s6 =	sshll.u32 s26, $0x1;
	_ =	strace $0x80000049;
	[dreg:$0x1] =	wrdreg $0xFFFFFFFF  }
0xad: {  	s28 =	simm.s32 $_size_execute0_lowered;
	s5 =	sadd.s32 s5, s6;
	[dreg:$0x0] =	wrdreg $0x0  }
0xae: {  	s6 =	sshll.u32 s28, $0x1;
	[dreg:$0x2] =	wrdreg s5  }
0xaf: {  	[dreg:$0x3] =	wrdreg s6  }
0xb0: {  	[dreg:$0x4] =	wrdreg $0xC0  }
0xb1: {  	_ =	task [dreg:s9], $0x5FFFF  }
0xb2: {  	[dreg:$0x1] =	wrdreg $0xFFFFFFFF  }
0xb3: {  	[dreg:$0x0] =	wrdreg $0x60  }
0xb4: {  	[dreg:$0x2] =	wrdreg s16  }
0xb5: {  	[dreg:$0x3] =	wrdreg s18  }
0xb6: {  	[dreg:$0x4] =	wrdreg s17  }
0xb7: {  	[dreg:$0x5] =	wrdreg $0x9  }
0xb8: {  	_ =	task.clear_ibuf [dreg:s9], $0x6FFFF;
	_ =	strace $0x90000049  }
0xb9: {  	s29 =	simm.s32 $0x9;
	_ =	strace $0x8000004B  }
0xba: {  	_ =	swait.ge [sflag:s29], $0x1  }
0xbb: {  	[sflag:s29] =	ssyncadd.s32 $0xFFFFFFFF  }
0xbc: {  	_ =	strace $0x9000004B  }
0xbd: {  	_ =	sfence  }
0xbe: {  	s30 =	sld [smem:$0x0];
	_ =	sdelay $0x2  }
0xbf: {  	s31 =	sshll.u32 s1, $0xD;
	s1 =	sshrl.u32 s1, $0x2  }
0xc0: {  	s3 =	sand.u32 $0x4000, s31;
	s1 =	sadd.s32 s1, s30  }
0xc1: {  	s0 =	sor.u32 s3, s0;
	s1 =	sshll.u32 s1, $0x11  }
0xc2: {  	s0 =	sor.u32 s1, s0  }
0xc3: {  	s0 =	sadd.s32 $0x8F2B, s0  }
0xc4: {  	[sflag:s0] =	ssyncadd.remote.s32 $0x1  }
0xc5: {  	_ =	sfence.sel $0xFFFF  }
0xc6: {  	[dreg:$0x0] =	wrdreg $0xFFFFFFFF;
	(pc) =	sbr.abs _section_cstart, $3  }
0xc7: {  	[dreg:$0x1] =	wrdreg $0xFFFFFFFF  }
0xc8: {  	_ =	task.clear_ibuf [dreg:s9], $0x2FFFF;
	_ =	strace $0x9FFFFFFF  }
0xc9: {  	(tm) =	ssettm $0x7FFFFFFF  }
tec
execute0_lowered:
.L_overlay_start_1:
0x0: {  	(tag) =	ssettag $0x1  }
0x1: {  	s0 =	rddreg [dreg:$0x0]  }
0x2: {  	s1 =	rddreg [dreg:$0x1]  }
0x3: {  	s3 =	rddreg [dreg:$0x2];
	s2 =	simm.s32 $0x0  }
0x4: {  	s11 =	stileid.u32;
	s4 =	srdreg.scid;
	s12 =	simm.s32 $0x5200  }
0x5: {  	s28 =	simm.s32 $0x5A00;
	s13 =	simm.s32 $0x6200;
	s29 =	simm.s32 $0x2  }
0x6: {  	s30 =	simm.s32 $0x3;
	s31 =	simm.s32 $0x6;
	[smem:$0x7FF] =	sst s2  }
0x7: {  	s5 =	sshll.u32 s11, $0x1;
	s4 =	sand.u32 $0x1, s4;
	s6 =	sshrl.u32 s11, $0x2  }
0x8: {  	s16 =	sand.u32 $0x3, s11;
	s11 =	simm.s32 $0x7200;
	s5 =	sand.u32 $0x6, s5  }
0x9: {  	s7 =	ssub.s32 $0x2, s4;
	s8 =	sshll.u32 s6, $0x4;
	_ =	strace $0x8000004A  }
0xa: {  	s15 =	sshll.u32 s6, $0x17;
	s6 =	sshll.u32 s6, $0x15;
	s17 =	sshll.u32 s4, $0x14  }
0xb: {  	s5 =	sor.u32 s4, s5;
	s9 =	sshrl.u32 s7, $0x1;
	s1 =	sadd.s32 s1, s8  }
0xc: {  	s8 =	sshll.u32 s16, $0x15;
	s4 =	sadd.s32 s0, s6;
	s6 =	simm.s32 $0x2A00  }
0xd: {  	s10 =	sshll.u32 s5, $0x8;
	s7 =	ssub.s32 s7, s9;
	s5 =	sshll.u32 s5, $0x14  }
0xe: {  	s14 =	sadd.s32 $0x100, s4;
	s16 =	sadd.s32 $0x200, s4;
	s9 =	simm.s32 $0x4200  }
0xf: {  	s1 =	sadd.s32 s10, s1;
	s5 =	sor.u32 s15, s5;
	s26 =	smax.u32 s7, $0x1  }
0x10: {  	s7 =	simm.s32 $0x3200;
	s10 =	simm.s32 $0x4A00;
	[dreg:$0x7] =	wrdreg s1  }
0x11: {  	s5 =	sshrl.u32 s5, $0x3;
	s1 =	sor.u32 s8, s15;
	[dreg:$0xd] =	wrdreg s26  }
0x12: {  	s8 =	simm.s32 $0x3A00;
	s26 =	simm.s32 $0x6A00;
	s15 =	simm.s32 $0x4  }
0x13: {  	s18 =	sadd.s32 s3, s5;
	s19 =	sor.u32 s17, s1;
	s17 =	simm.s32 $0x5  }
0x14: {  	s20 =	sadd.s32 $0x1000, s18;
	s21 =	sadd.s32 $0x1D000, s18;
	[dreg:$0x8] =	wrdreg s18  }
0x15: {  	s22 =	sor.u32 $0x20000, s19;
	s5 =	sadd.s32 $0x1E000, s18;
	[dreg:$0x9] =	wrdreg s20  }
0x16: {  	s23 =	sor.u32 $0x18000, s19;
	s0 =	sor.u32 $0x10000, s19;
	[dreg:$0xa] =	wrdreg s21  }
0x17: {  	s25 =	sadd.s32 $0x1F000, s18;
	s18 =	sadd.s32 $0x300, s4;
	[dreg:$0xb] =	wrdreg s5  }
0x18: {  	s1 =	sshrl.u32 s22, $0x3;
	s5 =	sshrl.u32 s23, $0x3;
	s0 =	sshrl.u32 s0, $0x3  }
0x19: {  	[dreg:$0xc] =	wrdreg s25;
	s23 =	simm.s32 $0xA00;
	s22 =	simm.s32 $0x1200  }
0x1a: {  	s20 =	sadd.s32 $0x400, s4;
	s25 =	simm.s32 $0x1;
	s1 =	sadd.s32 s1, s3  }
0x1b: {  	v2 =	vlaneseq.u32;
	s24 =	sadd.s32 s5, s3;
	s0 =	sadd.s32 s0, s3;
	[dreg:$0x4] =	wrdreg s1  }
0x1c: {  	vm0 =	vmmov $0xffff;
	v1 =	vshrl.u32 v2, $0x3;
	s3 =	simm.s32 $0x1A00;
	s5 =	simm.s32 $0x10200;
	[dreg:$0x5] =	wrdreg s24  }
0x1d: {  	v0 =	vand.u32 $0x7, v2;
	v2 =	vor.u32 $0x8, v2;
	v1 =	vmul.u32 $0x8, v1;
	[dreg:$0x6] =	wrdreg s0;
	s24 =	simm.s32 $0x2200;
	s1 =	simm.s32 $0x0  }
.LBB2_1:
0x1e: {  	[dreg:$0xe] =	wrdreg s1  }
0x1f: {  	s0 =	rddreg [dreg:$0x7]  }
0x20: {  	s21 =	simm.s32 $0x80;
	s19 =	simm.s32 $0x200;
	s1 =	simm.s32 $0x7  }
0x21: {  	[tilespmem:s2], [sflag:$0x7] =	stream.strided.gather [hbm4b:s0+s21], $0x200, s19, s21, $0x38;
	[tilespmem:$0x18200] =	vst v63  }
0x22: {  	_ =	swait.ge [sflag:s1], $0x200  }
0x23: {  	[sflag:s1] =	ssyncset.done $0x0  }
0x24: {  	[sflag:s1] =	ssyncadd.s32 $0xFFFFFE00  }
0x25: {  	v3 =	vld [tilespmem:$0x0];
	_ =	sdelay $0x4  }
0x26: {  	v4 =	vshll.u32 v3, $0x4  }
0x27: {  	v3 =	vand.u32 $0x7, v3;
	v4 =	vand.u32 $0xFFFFFF80, v4  }
0x28: {  	v3 =	vor.u32 v3, v4  }
0x29: {  	v4 =	vperm.xlane v3, v0;
	_ =	sdelay $0x1  }
0x2a: {  	v4 =	vadd.s32 v1, v4;
	_ =	sdelay $0x4  }
0x2b: {  	[tilespmem:s19], [sflag:$0x1] =	stream.indirect_vreg.gather [hbm4b:s4+s2], $0x80, v4, vm0, $0xb8;
	[tilespmem:$0x18200] =	vst v63  }
0x2c: {  	_ = 	snop  }
0x2d: {  	[tilespmem:s23], [sflag:$0x1] =	stream.indirect_vreg.gather [hbm4b:s14+s2], $0x80, v4, vm0, $0xb8;
	[tilespmem:$0x18200] =	vst v63  }
0x2e: {  	_ = 	snop  }
0x2f: {  	[tilespmem:s22], [sflag:$0x1] =	stream.indirect_vreg.gather [hbm4b:s16+s2], $0x80, v4, vm0, $0xb8;
	[tilespmem:$0x18200] =	vst v63  }
0x30: {  	_ = 	snop  }
0x31: {  	[tilespmem:s3], [sflag:$0x1] =	stream.indirect_vreg.gather [hbm4b:s18+s2], $0x80, v4, vm0, $0xb8;
	[tilespmem:$0x18200] =	vst v63  }
0x32: {  	_ = 	snop  }
0x33: {  	[tilespmem:s24], [sflag:$0x1] =	stream.indirect_vreg.gather [hbm4b:s20+s2], $0x80, v4, vm0, $0xb8;
	[tilespmem:$0x18200] =	vst v63  }
0x34: {  	v3 =	vperm.xlane v3, v2;
	s19 =	sadd.s32 $0x500, s4  }
0x35: {  	[tilespmem:s6], [sflag:$0x1] =	stream.indirect_vreg.gather [hbm4b:s19+s2], $0x80, v4, vm0, $0xb8;
	[tilespmem:$0x18200] =	vst v63  }
0x36: {  	s0 =	sadd.s32 $0x600, s4;
	v3 =	vadd.s32 v1, v3  }
0x37: {  	[tilespmem:s7], [sflag:$0x1] =	stream.indirect_vreg.gather [hbm4b:s0+s2], $0x80, v4, vm0, $0xb8;
	[tilespmem:$0x18200] =	vst v63  }
0x38: {  	s21 =	sadd.s32 $0x700, s4  }
0x39: {  	[tilespmem:s8], [sflag:$0x1] =	stream.indirect_vreg.gather [hbm4b:s21+s2], $0x80, v4, vm0, $0xb8;
	[tilespmem:$0x18200] =	vst v63  }
0x3a: {  	_ = 	snop  }
0x3b: {  	[tilespmem:s9], [sflag:$0x1] =	stream.indirect_vreg.gather [hbm4b:s4+s2], $0x80, v3, vm0, $0xb8;
	[tilespmem:$0x18200] =	vst v63  }
0x3c: {  	_ = 	snop  }
0x3d: {  	[tilespmem:s10], [sflag:$0x1] =	stream.indirect_vreg.gather [hbm4b:s14+s2], $0x80, v3, vm0, $0xb8;
	[tilespmem:$0x18200] =	vst v63  }
0x3e: {  	_ = 	snop  }
0x3f: {  	[tilespmem:s12], [sflag:$0x1] =	stream.indirect_vreg.gather [hbm4b:s16+s2], $0x80, v3, vm0, $0xb8;
	[tilespmem:$0x18200] =	vst v63  }
0x40: {  	_ = 	snop  }
0x41: {  	[tilespmem:s28], [sflag:$0x1] =	stream.indirect_vreg.gather [hbm4b:s18+s2], $0x80, v3, vm0, $0xb8;
	[tilespmem:$0x18200] =	vst v63  }
0x42: {  	_ = 	snop  }
0x43: {  	[tilespmem:s13], [sflag:$0x1] =	stream.indirect_vreg.gather [hbm4b:s20+s2], $0x80, v3, vm0, $0xb8;
	[tilespmem:$0x18200] =	vst v63  }
0x44: {  	_ = 	snop  }
0x45: {  	[tilespmem:s26], [sflag:$0x1] =	stream.indirect_vreg.gather [hbm4b:s19+s2], $0x80, v3, vm0, $0xb8;
	[tilespmem:$0x18200] =	vst v63  }
0x46: {  	_ = 	snop  }
0x47: {  	[tilespmem:s11], [sflag:$0x1] =	stream.indirect_vreg.gather [hbm4b:s0+s2], $0x80, v3, vm0, $0xb8;
	[tilespmem:$0x18200] =	vst v63  }
0x48: {  	s11 =	simm.s32 $0x7A00  }
0x49: {  	[tilespmem:s11], [sflag:$0x1] =	stream.indirect_vreg.gather [hbm4b:s21+s2], $0x80, v3, vm0, $0xb8;
	[tilespmem:$0x18200] =	vst v63  }
0x4a: {  	v3 =	vld [tilespmem:$0x10];
	_ =	sdelay $0x4  }
0x4b: {  	v61 =	vshll.u32 v3, $0x4  }
0x4c: {  	v3 =	vand.u32 $0x7, v3;
	v4 =	vand.u32 $0xFFFFFF80, v61  }
0x4d: {  	v3 =	vor.u32 v3, v4  }
0x4e: {  	v4 =	vperm.xlane v3, v0;
	_ =	sdelay $0x1  }
0x4f: {  	v4 =	vadd.s32 v1, v4;
	_ =	sdelay $0x3  }
0x50: {  	s11 =	simm.s32 $0x8200  }
0x51: {  	[tilespmem:s11], [sflag:$0x2] =	stream.indirect_vreg.gather [hbm4b:s4+s2], $0x80, v4, vm0, $0xb8;
	[tilespmem:$0x18200] =	vst v63  }
0x52: {  	s11 =	simm.s32 $0x8A00  }
0x53: {  	[tilespmem:s11], [sflag:$0x2] =	stream.indirect_vreg.gather [hbm4b:s14+s2], $0x80, v4, vm0, $0xb8;
	[tilespmem:$0x18200] =	vst v63  }
0x54: {  	s11 =	simm.s32 $0x9200  }
0x55: {  	[tilespmem:s11], [sflag:$0x2] =	stream.indirect_vreg.gather [hbm4b:s16+s2], $0x80, v4, vm0, $0xb8;
	[tilespmem:$0x18200] =	vst v63  }
0x56: {  	s11 =	simm.s32 $0x9A00  }
0x57: {  	[tilespmem:s11], [sflag:$0x2] =	stream.indirect_vreg.gather [hbm4b:s18+s2], $0x80, v4, vm0, $0xb8;
	[tilespmem:$0x18200] =	vst v63  }
0x58: {  	s11 =	simm.s32 $0xA200  }
0x59: {  	[tilespmem:s11], [sflag:$0x2] =	stream.indirect_vreg.gather [hbm4b:s20+s2], $0x80, v4, vm0, $0xb8;
	[tilespmem:$0x18200] =	vst v63  }
0x5a: {  	v3 =	vperm.xlane v3, v2;
	s11 =	simm.s32 $0xAA00  }
0x5b: {  	[tilespmem:s11], [sflag:$0x2] =	stream.indirect_vreg.gather [hbm4b:s19+s2], $0x80, v4, vm0, $0xb8;
	[tilespmem:$0x18200] =	vst v63  }
0x5c: {  	v3 =	vadd.s32 v1, v3;
	s11 =	simm.s32 $0xB200  }
0x5d: {  	[tilespmem:s11], [sflag:$0x2] =	stream.indirect_vreg.gather [hbm4b:s0+s2], $0x80, v4, vm0, $0xb8;
	[tilespmem:$0x18200] =	vst v63  }
0x5e: {  	s11 =	simm.s32 $0xBA00  }
0x5f: {  	[tilespmem:s11], [sflag:$0x2] =	stream.indirect_vreg.gather [hbm4b:s21+s2], $0x80, v4, vm0, $0xb8;
	[tilespmem:$0x18200] =	vst v63  }
0x60: {  	s11 =	simm.s32 $0xC200  }
0x61: {  	[tilespmem:s11], [sflag:$0x2] =	stream.indirect_vreg.gather [hbm4b:s4+s2], $0x80, v3, vm0, $0xb8;
	[tilespmem:$0x18200] =	vst v63  }
0x62: {  	s11 =	simm.s32 $0xCA00  }
0x63: {  	[tilespmem:s11], [sflag:$0x2] =	stream.indirect_vreg.gather [hbm4b:s14+s2], $0x80, v3, vm0, $0xb8;
	[tilespmem:$0x18200] =	vst v63  }
0x64: {  	s11 =	simm.s32 $0xD200  }
0x65: {  	[tilespmem:s11], [sflag:$0x2] =	stream.indirect_vreg.gather [hbm4b:s16+s2], $0x80, v3, vm0, $0xb8;
	[tilespmem:$0x18200] =	vst v63  }
0x66: {  	s11 =	simm.s32 $0xDA00  }
0x67: {  	[tilespmem:s11], [sflag:$0x2] =	stream.indirect_vreg.gather [hbm4b:s18+s2], $0x80, v3, vm0, $0xb8;
	[tilespmem:$0x18200] =	vst v63  }
0x68: {  	s11 =	simm.s32 $0xE200  }
0x69: {  	[tilespmem:s11], [sflag:$0x2] =	stream.indirect_vreg.gather [hbm4b:s20+s2], $0x80, v3, vm0, $0xb8;
	[tilespmem:$0x18200] =	vst v63  }
0x6a: {  	s11 =	simm.s32 $0xEA00  }
0x6b: {  	[tilespmem:s11], [sflag:$0x2] =	stream.indirect_vreg.gather [hbm4b:s19+s2], $0x80, v3, vm0, $0xb8;
	[tilespmem:$0x18200] =	vst v63  }
0x6c: {  	s11 =	simm.s32 $0xF200  }
0x6d: {  	[tilespmem:s11], [sflag:$0x2] =	stream.indirect_vreg.gather [hbm4b:s0+s2], $0x80, v3, vm0, $0xb8;
	[tilespmem:$0x18200] =	vst v63  }
0x6e: {  	s11 =	simm.s32 $0xFA00  }
0x6f: {  	[tilespmem:s11], [sflag:$0x2] =	stream.indirect_vreg.gather [hbm4b:s21+s2], $0x80, v3, vm0, $0xb8;
	[tilespmem:$0x18200] =	vst v63  }
0x70: {  	_ =	swait.ge [sflag:s25], $0x8000  }
0x71: {  	[sflag:s25] =	ssyncset.done $0x0  }
0x72: {  	s11 =	simm.s32 $0x200;
	s1 =	rddreg [dreg:$0x8];
	[sflag:s25] =	ssyncadd.s32 $0xFFFF8000  }
0x73: {  	[hbm4b:s1+s2] =	stream.linear.scatter [tilespmem:s11], [sflag:$0x4], $0x8000, $0x38;
	[tilespmem:$0x18200] =	vst v63  }
0x74: {  	v3 =	vld [tilespmem:$0x20];
	_ =	sdelay $0x4  }
0x75: {  	v62 =	vshll.u32 v3, $0x4  }
0x76: {  	v3 =	vand.u32 $0x7, v3;
	v4 =	vand.u32 $0xFFFFFF80, v62  }
0x77: {  	v3 =	vor.u32 v3, v4  }
0x78: {  	v4 =	vperm.xlane v3, v0;
	_ =	sdelay $0x1  }
0x79: {  	v4 =	vadd.s32 v1, v4;
	_ =	sdelay $0x4  }
0x7a: {  	[tilespmem:s5], [sflag:$0x3] =	stream.indirect_vreg.gather [hbm4b:s4+s2], $0x80, v4, vm0, $0xb8;
	[tilespmem:$0x18200] =	vst v63  }
0x7b: {  	s5 =	simm.s32 $0x10A00  }
0x7c: {  	[tilespmem:s5], [sflag:$0x3] =	stream.indirect_vreg.gather [hbm4b:s14+s2], $0x80, v4, vm0, $0xb8;
	[tilespmem:$0x18200] =	vst v63  }
0x7d: {  	s5 =	simm.s32 $0x11200  }
0x7e: {  	[tilespmem:s5], [sflag:$0x3] =	stream.indirect_vreg.gather [hbm4b:s16+s2], $0x80, v4, vm0, $0xb8;
	[tilespmem:$0x18200] =	vst v63  }
0x7f: {  	s5 =	simm.s32 $0x11A00  }
0x80: {  	[tilespmem:s5], [sflag:$0x3] =	stream.indirect_vreg.gather [hbm4b:s18+s2], $0x80, v4, vm0, $0xb8;
	[tilespmem:$0x18200] =	vst v63  }
0x81: {  	s5 =	simm.s32 $0x12200  }
0x82: {  	[tilespmem:s5], [sflag:$0x3] =	stream.indirect_vreg.gather [hbm4b:s20+s2], $0x80, v4, vm0, $0xb8;
	[tilespmem:$0x18200] =	vst v63  }
0x83: {  	v3 =	vperm.xlane v3, v2;
	s5 =	simm.s32 $0x12A00  }
0x84: {  	[tilespmem:s5], [sflag:$0x3] =	stream.indirect_vreg.gather [hbm4b:s19+s2], $0x80, v4, vm0, $0xb8;
	[tilespmem:$0x18200] =	vst v63  }
0x85: {  	v3 =	vadd.s32 v1, v3;
	s5 =	simm.s32 $0x13200  }
0x86: {  	[tilespmem:s5], [sflag:$0x3] =	stream.indirect_vreg.gather [hbm4b:s0+s2], $0x80, v4, vm0, $0xb8;
	[tilespmem:$0x18200] =	vst v63  }
0x87: {  	s5 =	simm.s32 $0x13A00  }
0x88: {  	[tilespmem:s5], [sflag:$0x3] =	stream.indirect_vreg.gather [hbm4b:s21+s2], $0x80, v4, vm0, $0xb8;
	[tilespmem:$0x18200] =	vst v63  }
0x89: {  	s5 =	simm.s32 $0x14200  }
0x8a: {  	[tilespmem:s5], [sflag:$0x3] =	stream.indirect_vreg.gather [hbm4b:s4+s2], $0x80, v3, vm0, $0xb8;
	[tilespmem:$0x18200] =	vst v63  }
0x8b: {  	s5 =	simm.s32 $0x14A00  }
0x8c: {  	[tilespmem:s5], [sflag:$0x3] =	stream.indirect_vreg.gather [hbm4b:s14+s2], $0x80, v3, vm0, $0xb8;
	[tilespmem:$0x18200] =	vst v63  }
0x8d: {  	s5 =	simm.s32 $0x15200  }
0x8e: {  	[tilespmem:s5], [sflag:$0x3] =	stream.indirect_vreg.gather [hbm4b:s16+s2], $0x80, v3, vm0, $0xb8;
	[tilespmem:$0x18200] =	vst v63  }
0x8f: {  	s5 =	simm.s32 $0x15A00  }
0x90: {  	[tilespmem:s5], [sflag:$0x3] =	stream.indirect_vreg.gather [hbm4b:s18+s2], $0x80, v3, vm0, $0xb8;
	[tilespmem:$0x18200] =	vst v63  }
0x91: {  	s5 =	simm.s32 $0x16200  }
0x92: {  	[tilespmem:s5], [sflag:$0x3] =	stream.indirect_vreg.gather [hbm4b:s20+s2], $0x80, v3, vm0, $0xb8;
	[tilespmem:$0x18200] =	vst v63  }
0x93: {  	s5 =	simm.s32 $0x16A00  }
0x94: {  	[tilespmem:s5], [sflag:$0x3] =	stream.indirect_vreg.gather [hbm4b:s19+s2], $0x80, v3, vm0, $0xb8;
	[tilespmem:$0x18200] =	vst v63  }
0x95: {  	s5 =	simm.s32 $0x17200  }
0x96: {  	[tilespmem:s5], [sflag:$0x3] =	stream.indirect_vreg.gather [hbm4b:s0+s2], $0x80, v3, vm0, $0xb8;
	[tilespmem:$0x18200] =	vst v63  }
0x97: {  	s5 =	simm.s32 $0x17A00  }
0x98: {  	[tilespmem:s5], [sflag:$0x3] =	stream.indirect_vreg.gather [hbm4b:s21+s2], $0x80, v3, vm0, $0xb8;
	[tilespmem:$0x18200] =	vst v63  }
0x99: {  	_ =	swait.ge [sflag:s29], $0x8000  }
0x9a: {  	[sflag:s29] =	ssyncset.done $0x0  }
0x9b: {  	s5 =	simm.s32 $0x8200;
	s1 =	rddreg [dreg:$0x9];
	[sflag:s29] =	ssyncadd.s32 $0xFFFF8000  }
0x9c: {  	[hbm4b:s1+s2] =	stream.linear.scatter [tilespmem:s5], [sflag:$0x5], $0x8000, $0x38;
	[tilespmem:$0x18200] =	vst v63  }
0x9d: {  	_ =	swait.ge [sflag:s15], $0x8000  }
0x9e: {  	[sflag:s15] =	ssyncset.done $0x0  }
0x9f: {  	[sflag:s15] =	ssyncadd.s32 $0xFFFF8000  }
0xa0: {  	v3 =	vld [tilespmem:$0x30];
	_ =	sdelay $0x4  }
0xa1: {  	v63 =	vshll.u32 v3, $0x4  }
0xa2: {  	v3 =	vand.u32 $0x7, v3;
	v4 =	vand.u32 $0xFFFFFF80, v63  }
0xa3: {  	v3 =	vor.u32 v3, v4  }
0xa4: {  	v4 =	vperm.xlane v3, v0;
	_ =	sdelay $0x1  }
0xa5: {  	v4 =	vadd.s32 v1, v4;
	_ =	sdelay $0x3  }
0xa6: {  	s11 =	simm.s32 $0x200  }
0xa7: {  	[tilespmem:s11], [sflag:$0x1] =	stream.indirect_vreg.gather [hbm4b:s4+s2], $0x80, v4, vm0, $0xb8;
	[tilespmem:$0x18200] =	vst v63  }
0xa8: {  	_ = 	snop  }
0xa9: {  	[tilespmem:s23], [sflag:$0x1] =	stream.indirect_vreg.gather [hbm4b:s14+s2], $0x80, v4, vm0, $0xb8;
	[tilespmem:$0x18200] =	vst v63  }
0xaa: {  	_ = 	snop  }
0xab: {  	[tilespmem:s22], [sflag:$0x1] =	stream.indirect_vreg.gather [hbm4b:s16+s2], $0x80, v4, vm0, $0xb8;
	[tilespmem:$0x18200] =	vst v63  }
0xac: {  	_ = 	snop  }
0xad: {  	[tilespmem:s3], [sflag:$0x1] =	stream.indirect_vreg.gather [hbm4b:s18+s2], $0x80, v4, vm0, $0xb8;
	[tilespmem:$0x18200] =	vst v63  }
0xae: {  	_ = 	snop  }
0xaf: {  	[tilespmem:s24], [sflag:$0x1] =	stream.indirect_vreg.gather [hbm4b:s20+s2], $0x80, v4, vm0, $0xb8;
	[tilespmem:$0x18200] =	vst v63  }
0xb0: {  	v3 =	vperm.xlane v3, v2  }
0xb1: {  	[tilespmem:s6], [sflag:$0x1] =	stream.indirect_vreg.gather [hbm4b:s19+s2], $0x80, v4, vm0, $0xb8;
	[tilespmem:$0x18200] =	vst v63  }
0xb2: {  	v3 =	vadd.s32 v1, v3  }
0xb3: {  	[tilespmem:s7], [sflag:$0x1] =	stream.indirect_vreg.gather [hbm4b:s0+s2], $0x80, v4, vm0, $0xb8;
	[tilespmem:$0x18200] =	vst v63  }
0xb4: {  	_ = 	snop  }
0xb5: {  	[tilespmem:s8], [sflag:$0x1] =	stream.indirect_vreg.gather [hbm4b:s21+s2], $0x80, v4, vm0, $0xb8;
	[tilespmem:$0x18200] =	vst v63  }
0xb6: {  	_ = 	snop  }
0xb7: {  	[tilespmem:s9], [sflag:$0x1] =	stream.indirect_vreg.gather [hbm4b:s4+s2], $0x80, v3, vm0, $0xb8;
	[tilespmem:$0x18200] =	vst v63  }
0xb8: {  	_ = 	snop  }
0xb9: {  	[tilespmem:s10], [sflag:$0x1] =	stream.indirect_vreg.gather [hbm4b:s14+s2], $0x80, v3, vm0, $0xb8;
	[tilespmem:$0x18200] =	vst v63  }
0xba: {  	_ = 	snop  }
0xbb: {  	[tilespmem:s12], [sflag:$0x1] =	stream.indirect_vreg.gather [hbm4b:s16+s2], $0x80, v3, vm0, $0xb8;
	[tilespmem:$0x18200] =	vst v63  }
0xbc: {  	s1 =	simm.s32 $0x0  }
0xbd: {  	[tilespmem:s28], [sflag:$0x1] =	stream.indirect_vreg.gather [hbm4b:s18+s2], $0x80, v3, vm0, $0xb8;
	[tilespmem:$0x18200] =	vst v63  }
0xbe: {  	s22 =	simm.s32 $0x60;
	s3 =	simm.s32 $0x1200;
	s24 =	simm.s32 $0x7200  }
0xbf: {  	[tilespmem:s13], [sflag:$0x1] =	stream.indirect_vreg.gather [hbm4b:s20+s2], $0x80, v3, vm0, $0xb8;
	[tilespmem:$0x18200] =	vst v63  }
0xc0: {  	s6 =	simm.s32 $0x2200;
	s8 =	simm.s32 $0x3200;
	s9 =	simm.s32 $0x3A00  }
0xc1: {  	[tilespmem:s26], [sflag:$0x1] =	stream.indirect_vreg.gather [hbm4b:s19+s2], $0x80, v3, vm0, $0xb8;
	[tilespmem:$0x18200] =	vst v63  }
0xc2: {  	s10 =	simm.s32 $0x4200;
	s12 =	simm.s32 $0x6200;
	s28 =	simm.s32 $0x5200  }
0xc3: {  	[tilespmem:s24], [sflag:$0x1] =	stream.indirect_vreg.gather [hbm4b:s0+s2], $0x80, v3, vm0, $0xb8;
	[tilespmem:$0x18200] =	vst v63  }
0xc4: {  	s13 =	simm.s32 $0x5A00;
	s26 =	simm.s32 $0x7A00;
	s24 =	simm.s32 $0x1A00  }
0xc5: {  	[tilespmem:s26], [sflag:$0x1] =	stream.indirect_vreg.gather [hbm4b:s21+s2], $0x80, v3, vm0, $0xb8;
	[tilespmem:$0x18200] =	vst v63  }
.LBB2_2:
0xc6: {  	_ =	swait.ge [sflag:s30], $0x8000  }
0xc7: {  	s23 =	rddreg [dreg:$0x6];
	[sflag:s30] =	ssyncset.done $0x0  }
0xc8: {  	s7 =	simm.s32 $0x10200;
	[sflag:s30] =	ssyncadd.s32 $0xFFFF8000;
	s23 =	sadd.s32 s1, s23  }
0xc9: {  	[hbm4b:s23+s2] =	stream.linear.scatter [tilespmem:s7], [sflag:$0x6], $0x8000, $0x38;
	[tilespmem:$0x18200] =	vst v63  }
0xca: {  	_ =	swait.ge [sflag:s17], $0x8000  }
0xcb: {  	[sflag:s17] =	ssyncset.done $0x0  }
0xcc: {  	[sflag:s17] =	ssyncadd.s32 $0xFFFF8000  }
0xcd: {  	v3 =	vld [tilespmem:s22+$0xFFFFFFE0];
	_ =	sdelay $0x4  }
0xce: {  	v4 =	vshll.u32 v3, $0x4  }
0xcf: {  	v3 =	vand.u32 $0x7, v3;
	v4 =	vand.u32 $0xFFFFFF80, v4  }
0xd0: {  	v3 =	vor.u32 v3, v4  }
0xd1: {  	v4 =	vperm.xlane v3, v0;
	_ =	sdelay $0x1  }
0xd2: {  	v4 =	vadd.s32 v1, v4;
	_ =	sdelay $0x3  }
0xd3: {  	s11 =	simm.s32 $0x8200  }
0xd4: {  	[tilespmem:s11], [sflag:$0x2] =	stream.indirect_vreg.gather [hbm4b:s4+s2], $0x80, v4, vm0, $0xb8;
	[tilespmem:$0x18200] =	vst v63  }
0xd5: {  	s5 =	simm.s32 $0x8A00  }
0xd6: {  	[tilespmem:s5], [sflag:$0x2] =	stream.indirect_vreg.gather [hbm4b:s14+s2], $0x80, v4, vm0, $0xb8;
	[tilespmem:$0x18200] =	vst v63  }
0xd7: {  	s26 =	simm.s32 $0x9200  }
0xd8: {  	[tilespmem:s26], [sflag:$0x2] =	stream.indirect_vreg.gather [hbm4b:s16+s2], $0x80, v4, vm0, $0xb8;
	[tilespmem:$0x18200] =	vst v63  }
0xd9: {  	s5 =	simm.s32 $0x9A00  }
0xda: {  	[tilespmem:s5], [sflag:$0x2] =	stream.indirect_vreg.gather [hbm4b:s18+s2], $0x80, v4, vm0, $0xb8;
	[tilespmem:$0x18200] =	vst v63  }
0xdb: {  	s26 =	simm.s32 $0xA200  }
0xdc: {  	[tilespmem:s26], [sflag:$0x2] =	stream.indirect_vreg.gather [hbm4b:s20+s2], $0x80, v4, vm0, $0xb8;
	[tilespmem:$0x18200] =	vst v63  }
0xdd: {  	v3 =	vperm.xlane v3, v2;
	s5 =	simm.s32 $0xAA00  }
0xde: {  	[tilespmem:s5], [sflag:$0x2] =	stream.indirect_vreg.gather [hbm4b:s19+s2], $0x80, v4, vm0, $0xb8;
	[tilespmem:$0x18200] =	vst v63  }
0xdf: {  	v3 =	vadd.s32 v1, v3;
	s26 =	simm.s32 $0xB200  }
0xe0: {  	[tilespmem:s26], [sflag:$0x2] =	stream.indirect_vreg.gather [hbm4b:s0+s2], $0x80, v4, vm0, $0xb8;
	[tilespmem:$0x18200] =	vst v63  }
0xe1: {  	s5 =	simm.s32 $0xBA00  }
0xe2: {  	[tilespmem:s5], [sflag:$0x2] =	stream.indirect_vreg.gather [hbm4b:s21+s2], $0x80, v4, vm0, $0xb8;
	[tilespmem:$0x18200] =	vst v63  }
0xe3: {  	s26 =	simm.s32 $0xC200  }
0xe4: {  	[tilespmem:s26], [sflag:$0x2] =	stream.indirect_vreg.gather [hbm4b:s4+s2], $0x80, v3, vm0, $0xb8;
	[tilespmem:$0x18200] =	vst v63  }
0xe5: {  	s5 =	simm.s32 $0xCA00  }
0xe6: {  	[tilespmem:s5], [sflag:$0x2] =	stream.indirect_vreg.gather [hbm4b:s14+s2], $0x80, v3, vm0, $0xb8;
	[tilespmem:$0x18200] =	vst v63  }
0xe7: {  	s26 =	simm.s32 $0xD200  }
0xe8: {  	[tilespmem:s26], [sflag:$0x2] =	stream.indirect_vreg.gather [hbm4b:s16+s2], $0x80, v3, vm0, $0xb8;
	[tilespmem:$0x18200] =	vst v63  }
0xe9: {  	s5 =	simm.s32 $0xDA00  }
0xea: {  	[tilespmem:s5], [sflag:$0x2] =	stream.indirect_vreg.gather [hbm4b:s18+s2], $0x80, v3, vm0, $0xb8;
	[tilespmem:$0x18200] =	vst v63  }
0xeb: {  	s26 =	simm.s32 $0xE200  }
0xec: {  	[tilespmem:s26], [sflag:$0x2] =	stream.indirect_vreg.gather [hbm4b:s20+s2], $0x80, v3, vm0, $0xb8;
	[tilespmem:$0x18200] =	vst v63  }
0xed: {  	s5 =	simm.s32 $0xEA00  }
0xee: {  	[tilespmem:s5], [sflag:$0x2] =	stream.indirect_vreg.gather [hbm4b:s19+s2], $0x80, v3, vm0, $0xb8;
	[tilespmem:$0x18200] =	vst v63  }
0xef: {  	s26 =	simm.s32 $0xF200  }
0xf0: {  	[tilespmem:s26], [sflag:$0x2] =	stream.indirect_vreg.gather [hbm4b:s0+s2], $0x80, v3, vm0, $0xb8;
	[tilespmem:$0x18200] =	vst v63  }
0xf1: {  	s5 =	simm.s32 $0xFA00  }
0xf2: {  	[tilespmem:s5], [sflag:$0x2] =	stream.indirect_vreg.gather [hbm4b:s21+s2], $0x80, v3, vm0, $0xb8;
	[tilespmem:$0x18200] =	vst v63  }
0xf3: {  	_ =	swait.ge [sflag:s25], $0x8000  }
0xf4: {  	s5 =	rddreg [dreg:$0x5];
	[sflag:s25] =	ssyncset.done $0x0  }
0xf5: {  	s26 =	simm.s32 $0x200;
	[sflag:s25] =	ssyncadd.s32 $0xFFFF8000;
	s23 =	sadd.s32 s1, s5  }
0xf6: {  	[hbm4b:s23+s2] =	stream.linear.scatter [tilespmem:s26], [sflag:$0x4], $0x8000, $0x38;
	[tilespmem:$0x18200] =	vst v63  }
0xf7: {  	_ =	swait.ge [sflag:s31], $0x8000  }
0xf8: {  	[sflag:s31] =	ssyncset.done $0x0  }
0xf9: {  	[sflag:s31] =	ssyncadd.s32 $0xFFFF8000  }
0xfa: {  	v3 =	vld [tilespmem:s22+$0xFFFFFFF0];
	_ =	sdelay $0x4  }
0xfb: {  	v62 =	vshll.u32 v3, $0x4  }
0xfc: {  	v3 =	vand.u32 $0x7, v3;
	v4 =	vand.u32 $0xFFFFFF80, v62  }
0xfd: {  	v3 =	vor.u32 v3, v4  }
0xfe: {  	v4 =	vperm.xlane v3, v0;
	_ =	sdelay $0x1  }
0xff: {  	v4 =	vadd.s32 v1, v4;
	_ =	sdelay $0x4  }
0x100: {  	[tilespmem:s7], [sflag:$0x3] =	stream.indirect_vreg.gather [hbm4b:s4+s2], $0x80, v4, vm0, $0xb8;
	[tilespmem:$0x18200] =	vst v63  }
0x101: {  	s23 =	simm.s32 $0x10A00  }
0x102: {  	[tilespmem:s23], [sflag:$0x3] =	stream.indirect_vreg.gather [hbm4b:s14+s2], $0x80, v4, vm0, $0xb8;
	[tilespmem:$0x18200] =	vst v63  }
0x103: {  	s23 =	simm.s32 $0x11200  }
0x104: {  	[tilespmem:s23], [sflag:$0x3] =	stream.indirect_vreg.gather [hbm4b:s16+s2], $0x80, v4, vm0, $0xb8;
	[tilespmem:$0x18200] =	vst v63  }
0x105: {  	s23 =	simm.s32 $0x11A00  }
0x106: {  	[tilespmem:s23], [sflag:$0x3] =	stream.indirect_vreg.gather [hbm4b:s18+s2], $0x80, v4, vm0, $0xb8;
	[tilespmem:$0x18200] =	vst v63  }
0x107: {  	s23 =	simm.s32 $0x12200  }
0x108: {  	[tilespmem:s23], [sflag:$0x3] =	stream.indirect_vreg.gather [hbm4b:s20+s2], $0x80, v4, vm0, $0xb8;
	[tilespmem:$0x18200] =	vst v63  }
0x109: {  	v3 =	vperm.xlane v3, v2;
	s23 =	simm.s32 $0x12A00  }
0x10a: {  	[tilespmem:s23], [sflag:$0x3] =	stream.indirect_vreg.gather [hbm4b:s19+s2], $0x80, v4, vm0, $0xb8;
	[tilespmem:$0x18200] =	vst v63  }
0x10b: {  	v3 =	vadd.s32 v1, v3;
	s23 =	simm.s32 $0x13200  }
0x10c: {  	[tilespmem:s23], [sflag:$0x3] =	stream.indirect_vreg.gather [hbm4b:s0+s2], $0x80, v4, vm0, $0xb8;
	[tilespmem:$0x18200] =	vst v63  }
0x10d: {  	s23 =	simm.s32 $0x13A00  }
0x10e: {  	[tilespmem:s23], [sflag:$0x3] =	stream.indirect_vreg.gather [hbm4b:s21+s2], $0x80, v4, vm0, $0xb8;
	[tilespmem:$0x18200] =	vst v63  }
0x10f: {  	s23 =	simm.s32 $0x14200  }
0x110: {  	[tilespmem:s23], [sflag:$0x3] =	stream.indirect_vreg.gather [hbm4b:s4+s2], $0x80, v3, vm0, $0xb8;
	[tilespmem:$0x18200] =	vst v63  }
0x111: {  	s23 =	simm.s32 $0x14A00  }
0x112: {  	[tilespmem:s23], [sflag:$0x3] =	stream.indirect_vreg.gather [hbm4b:s14+s2], $0x80, v3, vm0, $0xb8;
	[tilespmem:$0x18200] =	vst v63  }
0x113: {  	s23 =	simm.s32 $0x15200  }
0x114: {  	[tilespmem:s23], [sflag:$0x3] =	stream.indirect_vreg.gather [hbm4b:s16+s2], $0x80, v3, vm0, $0xb8;
	[tilespmem:$0x18200] =	vst v63  }
0x115: {  	s23 =	simm.s32 $0x15A00  }
0x116: {  	[tilespmem:s23], [sflag:$0x3] =	stream.indirect_vreg.gather [hbm4b:s18+s2], $0x80, v3, vm0, $0xb8;
	[tilespmem:$0x18200] =	vst v63  }
0x117: {  	s23 =	simm.s32 $0x16200  }
0x118: {  	[tilespmem:s23], [sflag:$0x3] =	stream.indirect_vreg.gather [hbm4b:s20+s2], $0x80, v3, vm0, $0xb8;
	[tilespmem:$0x18200] =	vst v63  }
0x119: {  	s23 =	simm.s32 $0x16A00  }
0x11a: {  	[tilespmem:s23], [sflag:$0x3] =	stream.indirect_vreg.gather [hbm4b:s19+s2], $0x80, v3, vm0, $0xb8;
	[tilespmem:$0x18200] =	vst v63  }
0x11b: {  	s23 =	simm.s32 $0x17200  }
0x11c: {  	[tilespmem:s23], [sflag:$0x3] =	stream.indirect_vreg.gather [hbm4b:s0+s2], $0x80, v3, vm0, $0xb8;
	[tilespmem:$0x18200] =	vst v63  }
0x11d: {  	s23 =	simm.s32 $0x17A00  }
0x11e: {  	[tilespmem:s23], [sflag:$0x3] =	stream.indirect_vreg.gather [hbm4b:s21+s2], $0x80, v3, vm0, $0xb8;
	[tilespmem:$0x18200] =	vst v63  }
0x11f: {  	_ =	swait.ge [sflag:s29], $0x8000  }
0x120: {  	s7 =	rddreg [dreg:$0x4];
	[sflag:s29] =	ssyncset.done $0x0  }
0x121: {  	[sflag:s29] =	ssyncadd.s32 $0xFFFF8000;
	s23 =	sadd.s32 s1, s7  }
0x122: {  	[hbm4b:s23+s2] =	stream.linear.scatter [tilespmem:s11], [sflag:$0x5], $0x8000, $0x38;
	[tilespmem:$0x18200] =	vst v63  }
0x123: {  	_ =	swait.ge [sflag:s15], $0x8000  }
0x124: {  	[sflag:s15] =	ssyncset.done $0x0  }
0x125: {  	[sflag:s15] =	ssyncadd.s32 $0xFFFF8000  }
0x126: {  	v3 =	vld [tilespmem:s22+$0x0];
	_ =	sdelay $0x4  }
0x127: {  	v63 =	vshll.u32 v3, $0x4  }
0x128: {  	v3 =	vand.u32 $0x7, v3;
	v4 =	vand.u32 $0xFFFFFF80, v63  }
0x129: {  	v3 =	vor.u32 v3, v4  }
0x12a: {  	v4 =	vperm.xlane v3, v0;
	_ =	sdelay $0x1  }
0x12b: {  	v4 =	vadd.s32 v1, v4;
	_ =	sdelay $0x4  }
0x12c: {  	[tilespmem:s26], [sflag:$0x1] =	stream.indirect_vreg.gather [hbm4b:s4+s2], $0x80, v4, vm0, $0xb8;
	[tilespmem:$0x18200] =	vst v63  }
0x12d: {  	s23 =	simm.s32 $0xA00  }
0x12e: {  	[tilespmem:s23], [sflag:$0x1] =	stream.indirect_vreg.gather [hbm4b:s14+s2], $0x80, v4, vm0, $0xb8;
	[tilespmem:$0x18200] =	vst v63  }
0x12f: {  	_ = 	snop  }
0x130: {  	[tilespmem:s3], [sflag:$0x1] =	stream.indirect_vreg.gather [hbm4b:s16+s2], $0x80, v4, vm0, $0xb8;
	[tilespmem:$0x18200] =	vst v63  }
0x131: {  	_ = 	snop  }
0x132: {  	[tilespmem:s24], [sflag:$0x1] =	stream.indirect_vreg.gather [hbm4b:s18+s2], $0x80, v4, vm0, $0xb8;
	[tilespmem:$0x18200] =	vst v63  }
0x133: {  	_ = 	snop  }
0x134: {  	[tilespmem:s6], [sflag:$0x1] =	stream.indirect_vreg.gather [hbm4b:s20+s2], $0x80, v4, vm0, $0xb8;
	[tilespmem:$0x18200] =	vst v63  }
0x135: {  	s7 =	simm.s32 $0x2A00;
	v3 =	vperm.xlane v3, v2  }
0x136: {  	[tilespmem:s7], [sflag:$0x1] =	stream.indirect_vreg.gather [hbm4b:s19+s2], $0x80, v4, vm0, $0xb8;
	[tilespmem:$0x18200] =	vst v63  }
0x137: {  	v3 =	vadd.s32 v1, v3  }
0x138: {  	[tilespmem:s8], [sflag:$0x1] =	stream.indirect_vreg.gather [hbm4b:s0+s2], $0x80, v4, vm0, $0xb8;
	[tilespmem:$0x18200] =	vst v63  }
0x139: {  	_ = 	snop  }
0x13a: {  	[tilespmem:s9], [sflag:$0x1] =	stream.indirect_vreg.gather [hbm4b:s21+s2], $0x80, v4, vm0, $0xb8;
	[tilespmem:$0x18200] =	vst v63  }
0x13b: {  	_ = 	snop  }
0x13c: {  	[tilespmem:s10], [sflag:$0x1] =	stream.indirect_vreg.gather [hbm4b:s4+s2], $0x80, v3, vm0, $0xb8;
	[tilespmem:$0x18200] =	vst v63  }
0x13d: {  	s7 =	simm.s32 $0x4A00  }
0x13e: {  	[tilespmem:s7], [sflag:$0x1] =	stream.indirect_vreg.gather [hbm4b:s14+s2], $0x80, v3, vm0, $0xb8;
	[tilespmem:$0x18200] =	vst v63  }
0x13f: {  	_ = 	snop  }
0x140: {  	[tilespmem:s28], [sflag:$0x1] =	stream.indirect_vreg.gather [hbm4b:s16+s2], $0x80, v3, vm0, $0xb8;
	[tilespmem:$0x18200] =	vst v63  }
0x141: {  	_ = 	snop  }
0x142: {  	[tilespmem:s13], [sflag:$0x1] =	stream.indirect_vreg.gather [hbm4b:s18+s2], $0x80, v3, vm0, $0xb8;
	[tilespmem:$0x18200] =	vst v63  }
0x143: {  	_ = 	snop  }
0x144: {  	[tilespmem:s12], [sflag:$0x1] =	stream.indirect_vreg.gather [hbm4b:s20+s2], $0x80, v3, vm0, $0xb8;
	[tilespmem:$0x18200] =	vst v63  }
0x145: {  	p0 =	sne.s32 s1, $0x18000;
	s26 =	simm.s32 $0x6A00  }
0x146: {  	[tilespmem:s26], [sflag:$0x1] =	stream.indirect_vreg.gather [hbm4b:s19+s2], $0x80, v3, vm0, $0xb8;
	[tilespmem:$0x18200] =	vst v63  }
.Ltmp0:
0x147: {  	_ = 	snop;
	(pc) =	sbr.rel @p0 .LBB2_2-.Ltmp0, $4  }
0x148: {  	s5 =	simm.s32 $0x10200;
	s1 =	sadd.s32 $0x3000, s1;
	s7 =	simm.s32 $0x7200  }
0x149: {  	[tilespmem:s7], [sflag:$0x1] =	stream.indirect_vreg.gather [hbm4b:s0+s2], $0x80, v3, vm0, $0xb8;
	[tilespmem:$0x18200] =	vst v63  }
0x14a: {  	s11 =	simm.s32 $0x200;
	s22 =	sadd.s32 $0x30, s22;
	s7 =	simm.s32 $0x7A00  }
0x14b: {  	[tilespmem:s7], [sflag:$0x1] =	stream.indirect_vreg.gather [hbm4b:s21+s2], $0x80, v3, vm0, $0xb8;
	[tilespmem:$0x18200] =	vst v63  }
0x14c: {  	_ =	swait.ge [sflag:s30], $0x8000  }
0x14d: {  	[sflag:s30] =	ssyncset.done $0x0  }
0x14e: {  	s1 =	rddreg [dreg:$0xa];
	[sflag:s30] =	ssyncadd.s32 $0xFFFF8000  }
0x14f: {  	[hbm4b:s1+s2] =	stream.linear.scatter [tilespmem:s5], [sflag:$0x6], $0x8000, $0x38;
	[tilespmem:$0x18200] =	vst v63  }
0x150: {  	_ =	swait.ge [sflag:s17], $0x8000  }
0x151: {  	[sflag:s17] =	ssyncset.done $0x0  }
0x152: {  	[sflag:s17] =	ssyncadd.s32 $0xFFFF8000  }
0x153: {  	v3 =	vld [tilespmem:$0x1F0];
	_ =	sdelay $0x4  }
0x154: {  	v4 =	vshll.u32 v3, $0x4  }
0x155: {  	v3 =	vand.u32 $0x7, v3;
	v4 =	vand.u32 $0xFFFFFF80, v4  }
0x156: {  	v3 =	vor.u32 v3, v4  }
0x157: {  	v4 =	vperm.xlane v3, v0;
	_ =	sdelay $0x1  }
0x158: {  	v4 =	vadd.s32 v1, v4;
	_ =	sdelay $0x3  }
0x159: {  	s1 =	simm.s32 $0x8200  }
0x15a: {  	[tilespmem:s1], [sflag:$0x2] =	stream.indirect_vreg.gather [hbm4b:s4+s2], $0x80, v4, vm0, $0xb8;
	[tilespmem:$0x18200] =	vst v63  }
0x15b: {  	s3 =	simm.s32 $0x8A00  }
0x15c: {  	[tilespmem:s3], [sflag:$0x2] =	stream.indirect_vreg.gather [hbm4b:s14+s2], $0x80, v4, vm0, $0xb8;
	[tilespmem:$0x18200] =	vst v63  }
0x15d: {  	s8 =	simm.s32 $0x9200  }
0x15e: {  	[tilespmem:s8], [sflag:$0x2] =	stream.indirect_vreg.gather [hbm4b:s16+s2], $0x80, v4, vm0, $0xb8;
	[tilespmem:$0x18200] =	vst v63  }
0x15f: {  	s9 =	simm.s32 $0x9A00  }
0x160: {  	[tilespmem:s9], [sflag:$0x2] =	stream.indirect_vreg.gather [hbm4b:s18+s2], $0x80, v4, vm0, $0xb8;
	[tilespmem:$0x18200] =	vst v63  }
0x161: {  	s10 =	simm.s32 $0xA200  }
0x162: {  	[tilespmem:s10], [sflag:$0x2] =	stream.indirect_vreg.gather [hbm4b:s20+s2], $0x80, v4, vm0, $0xb8;
	[tilespmem:$0x18200] =	vst v63  }
0x163: {  	s12 =	simm.s32 $0xAA00;
	v3 =	vperm.xlane v3, v2  }
0x164: {  	[tilespmem:s12], [sflag:$0x2] =	stream.indirect_vreg.gather [hbm4b:s19+s2], $0x80, v4, vm0, $0xb8;
	[tilespmem:$0x18200] =	vst v63  }
0x165: {  	s13 =	simm.s32 $0xB200;
	v3 =	vadd.s32 v1, v3  }
0x166: {  	[tilespmem:s13], [sflag:$0x2] =	stream.indirect_vreg.gather [hbm4b:s0+s2], $0x80, v4, vm0, $0xb8;
	[tilespmem:$0x18200] =	vst v63  }
0x167: {  	s22 =	simm.s32 $0xBA00  }
0x168: {  	[tilespmem:s22], [sflag:$0x2] =	stream.indirect_vreg.gather [hbm4b:s21+s2], $0x80, v4, vm0, $0xb8;
	[tilespmem:$0x18200] =	vst v63  }
0x169: {  	s24 =	simm.s32 $0xC200  }
0x16a: {  	[tilespmem:s24], [sflag:$0x2] =	stream.indirect_vreg.gather [hbm4b:s4+s2], $0x80, v3, vm0, $0xb8;
	[tilespmem:$0x18200] =	vst v63  }
0x16b: {  	s6 =	simm.s32 $0xCA00  }
0x16c: {  	[tilespmem:s6], [sflag:$0x2] =	stream.indirect_vreg.gather [hbm4b:s14+s2], $0x80, v3, vm0, $0xb8;
	[tilespmem:$0x18200] =	vst v63  }
0x16d: {  	s7 =	simm.s32 $0xD200  }
0x16e: {  	[tilespmem:s7], [sflag:$0x2] =	stream.indirect_vreg.gather [hbm4b:s16+s2], $0x80, v3, vm0, $0xb8;
	[tilespmem:$0x18200] =	vst v63  }
0x16f: {  	s8 =	simm.s32 $0xDA00  }
0x170: {  	[tilespmem:s8], [sflag:$0x2] =	stream.indirect_vreg.gather [hbm4b:s18+s2], $0x80, v3, vm0, $0xb8;
	[tilespmem:$0x18200] =	vst v63  }
0x171: {  	s9 =	simm.s32 $0xE200  }
0x172: {  	[tilespmem:s9], [sflag:$0x2] =	stream.indirect_vreg.gather [hbm4b:s20+s2], $0x80, v3, vm0, $0xb8;
	[tilespmem:$0x18200] =	vst v63  }
0x173: {  	s10 =	simm.s32 $0xEA00  }
0x174: {  	[tilespmem:s10], [sflag:$0x2] =	stream.indirect_vreg.gather [hbm4b:s19+s2], $0x80, v3, vm0, $0xb8;
	[tilespmem:$0x18200] =	vst v63  }
0x175: {  	s12 =	simm.s32 $0xF200  }
0x176: {  	[tilespmem:s12], [sflag:$0x2] =	stream.indirect_vreg.gather [hbm4b:s0+s2], $0x80, v3, vm0, $0xb8;
	[tilespmem:$0x18200] =	vst v63  }
0x177: {  	s13 =	simm.s32 $0xFA00  }
0x178: {  	[tilespmem:s13], [sflag:$0x2] =	stream.indirect_vreg.gather [hbm4b:s21+s2], $0x80, v3, vm0, $0xb8;
	[tilespmem:$0x18200] =	vst v63  }
0x179: {  	_ =	swait.ge [sflag:s25], $0x8000  }
0x17a: {  	[sflag:s25] =	ssyncset.done $0x0  }
0x17b: {  	s19 =	rddreg [dreg:$0xb];
	[sflag:s25] =	ssyncadd.s32 $0xFFFF8000  }
0x17c: {  	[hbm4b:s19+s2] =	stream.linear.scatter [tilespmem:s11], [sflag:$0x4], $0x8000, $0x38;
	[tilespmem:$0x18200] =	vst v63  }
0x17d: {  	_ =	swait.ge [sflag:s31], $0x8000  }
0x17e: {  	[sflag:s31] =	ssyncset.done $0x0  }
0x17f: {  	[sflag:s31] =	ssyncadd.s32 $0xFFFF8000  }
0x180: {  	_ =	swait.ge [sflag:s29], $0x8000  }
0x181: {  	[sflag:s29] =	ssyncset.done $0x0  }
0x182: {  	s21 =	rddreg [dreg:$0xc];
	[sflag:s29] =	ssyncadd.s32 $0xFFFF8000  }
0x183: {  	[hbm4b:s21+s2] =	stream.linear.scatter [tilespmem:s1], [sflag:$0x5], $0x8000, $0x38;
	[tilespmem:$0x18200] =	vst v63  }
0x184: {  	_ =	swait.ge [sflag:s15], $0x8000  }
0x185: {  	[sflag:s15] =	ssyncset.done $0x0  }
0x186: {  	[sflag:s15] =	ssyncadd.s32 $0xFFFF8000  }
0x187: {  	_ =	swait.ge [sflag:s17], $0x8000  }
0x188: {  	s22 =	rddreg [dreg:$0xe]  }
0x189: {  	s24 =	rddreg [dreg:$0xd];
	s1 =	sadd.s32 $0x1, s22  }
0x18a: {  	p0 =	sne.s32 s1, s24  }
.Ltmp1:
0x18b: {  	s28 =	simm.s32 $0x5A00;
	s3 =	simm.s32 $0x1A00;
	(pc) =	sbr.rel @p0 .LBB2_1-.Ltmp1, $4  }
0x18c: {  	s6 =	simm.s32 $0x2A00;
	s7 =	simm.s32 $0x3200;
	s8 =	simm.s32 $0x3A00  }
0x18d: {  	s9 =	simm.s32 $0x4200;
	s10 =	simm.s32 $0x4A00;
	s12 =	simm.s32 $0x5200  }
0x18e: {  	s13 =	simm.s32 $0x6200;
	s11 =	simm.s32 $0x7200;
	[sflag:s17] =	ssyncset.done $0x0  }
0x18f: {  	[sflag:s17] =	ssyncadd.s32 $0xFFFF8000;
	s22 =	simm.s32 $0x1200;
	s24 =	simm.s32 $0x2200  }
0x190: {  	_ =	sfence.sel $0x180000  }
0x191: {  	[bflag:$0x0] =	sbarrier.arrive $0xFFFF  }
0x192: {  	_ =	strace $0x9000004A  }
0x193: {  	s0 =	stileid.u32;
	[bflag:$0x2] =	sbarrier.arrive $0xFFFF  }
0x194: {  	p0 =	sne.s32 s0, $0x0;
	s0 =	rddreg [dreg:$0x3]  }
0x195: {  	s0 =	sadd.s32 @!p0 $0x100000, s0  }
0x196: {  	[sflag:s0] =	ssyncadd.tile.s32 @!p0 $0x1;
	_ =	shalt  }
.Lfunc_end2:
_tile_overlayer_lowered:
.L_overlay_start_2:
0x197: {  	(tag) =	ssettag $0x2  }
0x198: {  	s0 =	rddreg [dreg:$0x0];
	s2 =	stileid.u32  }
0x199: {  	s1 =	rddreg [dreg:$0x1];
	p0 =	sne.s32 s2, $0x0  }
0x19a: {  	s3 =	rddreg [dreg:$0x2];
	[bflag:$0x3] =	sbarrier.arrive $0xFFFF;
	s2 =	simm.s32 @!p0 $0x1C07  }
0x19b: {  	[timem:s3], [sflag:s2] =	dma.local @!p0 [hbm:s0], s1  }
0x19c: {  	s0 =	simm.s32 @!p0 $0x7  }
0x19d: {  	_ =	swait.ge @!p0 [sflag:s0], s1  }
0x19e: {  	s1 =	ssub.s32 @!p0 $0x0, s1;
	[sflag:s0] =	ssyncset.done @!p0 $0x0  }
0x19f: {  	[sflag:s0] =	ssyncadd.s32 @!p0 s1  }
0x1a0: {  	[bflag:$0x3] =	sbarrier.arrive $0xFFFF  }
0x1a1: {  	_ =	shalt  }

</sc_bundles>
